<compile_context>
chip_gen: v7x
topology: tpu7x:2x2x1
jax: 0.10.2.dev20260603
libtpu: 0.0.44.dev20260713+nightly
codegen_flags: <defaults>
</compile_context>

<pallas_src>
import functools

import jax
import jax.numpy as jnp
from jax import lax
from jax.experimental import pallas as pl
from jax.experimental.pallas import tpu as pltpu
from jax.experimental.pallas import tpu_sc as plsc

_V = 1000
_D = 1000
_DP = 1024
_B, _T = 1024, 50
_TP = 56
_NC, _NS = 2, 16
_NW = _NC * _NS
_BPW = _B // _NW
_TAIL = _D - 896
_TF = 48


def _gather_body(table_hbm, idx_hbm, out_hbm, idx_v, rows_v, tail_v, gsems, wsems):
    wid = lax.axis_index("s") * _NC + lax.axis_index("c")
    base = wid * _BPW
    pltpu.sync_copy(idx_hbm.at[pl.ds(base * _TP, _BPW * _TP)], idx_v)

    def fire_gather(ci, buf):
        off = pl.multiple_of(ci * _TP, 8)
        pltpu.async_copy(
            table_hbm.at[idx_v.at[pl.ds(off, _TF)]],
            rows_v.at[buf],
            gsems.at[buf],
        )

    def wait_gather(ci, buf):
        off = pl.multiple_of(ci * _TP, 8)
        pltpu.make_async_copy(
            table_hbm.at[idx_v.at[pl.ds(off, _TF)]],
            rows_v.at[buf],
            gsems.at[buf],
        ).wait()

    def repack_tail(buf):
        @pl.loop(0, _TF)
        def _(t):
            for off in (0, 16, 32, 48, 64, 80, 88):
                tail_v[buf, t, pl.ds(off, 16)] = rows_v[
                    buf, t, pl.ds(896 + off, 16)
                ]

    def fire_writes(ci, buf):
        pltpu.async_copy(
            rows_v.at[buf, :, pl.ds(0, 896)],
            out_hbm.at[base + ci, pl.ds(0, _TF), pl.ds(0, 896)],
            wsems.at[buf],
        )
        pltpu.async_copy(
            tail_v.at[buf],
            out_hbm.at[base + ci, pl.ds(0, _TF), pl.ds(896, _TAIL)],
            wsems.at[buf],
        )

    def wait_writes(ci, buf):
        pltpu.make_async_copy(
            rows_v.at[buf, :, pl.ds(0, 896)],
            out_hbm.at[base + ci, pl.ds(0, _TF), pl.ds(0, 896)],
            wsems.at[buf],
        ).wait()
        pltpu.make_async_copy(
            tail_v.at[buf],
            out_hbm.at[base + ci, pl.ds(0, _TF), pl.ds(896, _TAIL)],
            wsems.at[buf],
        ).wait()

    fire_gather(0, 0)
    fire_gather(1, 1)

    @pl.loop(0, _BPW - 2, step=2)
    def _(ci):
        for buf in range(2):
            wait_gather(ci + buf, buf)
            repack_tail(buf)
            fire_writes(ci + buf, buf)
        for buf in range(2):
            wait_writes(ci + buf, buf)
            fire_gather(ci + 2 + buf, buf)

    for buf in range(2):
        wait_gather(_BPW - 2 + buf, buf)
        repack_tail(buf)
        fire_writes(_BPW - 2 + buf, buf)
    for buf in range(2):
        wait_writes(_BPW - 2 + buf, buf)


_mesh = plsc.VectorSubcoreMesh(core_axis_name="c", subcore_axis_name="s")

_gather = functools.partial(
    pl.kernel,
    out_type=jax.ShapeDtypeStruct((_B, _T, _D), jnp.float32),
    mesh=_mesh,
    scratch_types=[
        pltpu.VMEM((_BPW * _TP,), jnp.int32),
        pltpu.VMEM((2, _TF, _DP), jnp.float32),
        pltpu.VMEM((2, _TF, _TAIL), jnp.float32),
        pltpu.SemaphoreType.DMA((2,)),
        pltpu.SemaphoreType.DMA((2,)),
    ],
    compiler_params=pltpu.CompilerParams(use_tc_tiling_on_sc=True),
)(_gather_body)


_FIXB = 64


def _fix_body(o_in_ref, rows_ref, o_ref, sem):
    del o_in_ref
    i = pl.program_id(0)
    pltpu.async_copy(
        rows_ref, o_ref.at[pl.ds(i * _FIXB, _FIXB), pl.ds(_TF, _T - _TF)], sem
    ).wait()


_fixup = pl.pallas_call(
    _fix_body,
    grid=(_B // _FIXB,),
    in_specs=[
        pl.BlockSpec(memory_space=pl.ANY),
        pl.BlockSpec((_FIXB, _T - _TF, _D), lambda i: (i, 0, 0)),
    ],
    out_specs=pl.BlockSpec(memory_space=pl.ANY),
    out_shape=jax.ShapeDtypeStruct((_B, _T, _D), jnp.float32),
    scratch_shapes=[
        pltpu.SemaphoreType.DMA,
    ],
    input_output_aliases={0: 0},
)


@jax.jit
def kernel(x, embeddings):
    table = jnp.pad(embeddings, ((0, 0), (0, _DP - _D)))
    idx = jnp.pad(x, ((0, 0), (0, _TP - _T))).reshape(_B * _TP)
    bulk = _gather(table, idx)
    fix_rows = jnp.take(embeddings, x[:, _TF:_T], axis=0)
    return _fixup(bulk, fix_rows)

# --- scband reference (transcript-rebuilt; emitter-appended) ---
"""Pipeline reference for scband-bigram-lm-49297634623883 (READ-ONLY COPY).

The authoritative reference and input builder live on the scoring server;
editing this copy changes nothing except your own understanding.
"""

import jax, jax.numpy as jnp
import numpy as np

VOCAB = 1000
B, T = 1024, 50

def setup_inputs(seed: int = 0) -> dict:
    key = jax.random.key(seed)
    k1, k2 = jax.random.split(key)
    x = jax.random.randint(k1, (B, T), 0, VOCAB, dtype=jnp.int32)
    # learned parameter: nn.Embedding(vocab_size, vocab_size).weight
    embeddings = jax.random.normal(k2, (VOCAB, VOCAB), dtype=jnp.float32)
    return {"x": x, "embeddings": embeddings}

def reference(x, embeddings):
    # BigramLM.forward with y=None: logits = self.embeddings(x); return (logits, None)
    logits = jnp.take(embeddings, x, axis=0)
    return logits

if __name__ == "__main__":
    import jax
    _d = setup_inputs()
    print(jax.jit(kernel)(*tuple(_d.values())))

</pallas_src>

<mosaic_0001>
#map = affine_map<(d0, d1) -> (0, 0)>
#map1 = affine_map<(d0, d1) -> (0)>
#map2 = affine_map<(d0, d1) -> (0, 0, 0)>
module attributes {stable_mosaic.version = 14 : i64} {
  func.func @_gather_body(%arg0: i32, %arg1: i32, %arg2: memref<1000x1024xf32, #tpu.memory_space<hbm>>, %arg3: memref<57344xi32, #tpu.memory_space<hbm>>, %arg4: memref<1024x50x1000xf32, #tpu.memory_space<hbm>>, %arg5: memref<1792xi32, #tpu.memory_space<vmem>>, %arg6: memref<2x48x1024xf32, #tpu.memory_space<vmem>>, %arg7: memref<2x48x104xf32, #tpu.memory_space<vmem>>, %arg8: memref<2x!tpu.dma_semaphore, #tpu.memory_space<semaphore_mem>>, %arg9: memref<2x!tpu.dma_semaphore, #tpu.memory_space<semaphore_mem>>) attributes {dimension_semantics = [#tpu.dimension_semantics<core_parallel>, #tpu.dimension_semantics<subcore_parallel>], iteration_bounds = array<i64: 2, 16>, scalar_prefetch = 0 : i64, scratch_operands = 5 : i64, tpu.core_type = #tpu.core_type<sc_vector_subcore>, window_params = [{transform_indices = #map}, {transform_indices = #map1}, {transform_indices = #map2}]} {
    %mul3A = arith.constant 2 : i32
    %mul3A_0 = arith.muli %arg1, %mul3A : i32
    %add3A = arith.addi %mul3A_0, %arg0 : i32
    %mul3A_1 = arith.constant 32 : i32
    %mul3A_2 = arith.muli %add3A, %mul3A_1 : i32
    %mul3A_3 = arith.constant 56 : i32
    %mul3A_4 = arith.muli %mul3A_2, %mul3A_3 : i32
    "tpu.region"() ({
      %run_scoped3A = tpu.sem_alloc : memref<!tpu.dma_semaphore, #tpu.memory_space<semaphore_mem>>
      %dma_start3A_248 = tpu.memref_slice %arg3[%mul3A_4] : memref<57344xi32, #tpu.memory_space<hbm>> -> memref<1792xi32, #tpu.memory_space<hbm>>
      %dma_start3A_249 = tpu.memref_slice %arg3[%mul3A_4] : memref<57344xi32, #tpu.memory_space<hbm>> -> memref<1792xi32, #tpu.memory_space<hbm>>
      tpu.enqueue_dma source(%dma_start3A_249 : memref<1792xi32, #tpu.memory_space<hbm>>) target(%arg5 : memref<1792xi32, #tpu.memory_space<vmem>>) target_semaphore(%run_scoped3A : memref<!tpu.dma_semaphore, #tpu.memory_space<semaphore_mem>>)
      %dma_wait3A_250 = tpu.memref_slice %arg3[%mul3A_4] : memref<57344xi32, #tpu.memory_space<hbm>> -> memref<1792xi32, #tpu.memory_space<hbm>>
      %dma_wait3A_251 = tpu.memref_slice %arg3[%mul3A_4] : memref<57344xi32, #tpu.memory_space<hbm>> -> memref<1792xi32, #tpu.memory_space<hbm>>
      tpu.wait_dma2 semaphore(%run_scoped3A : memref<!tpu.dma_semaphore, #tpu.memory_space<semaphore_mem>>) src(%dma_wait3A_251 : memref<1792xi32, #tpu.memory_space<hbm>>) dst(%arg5 : memref<1792xi32, #tpu.memory_space<vmem>>)
      tpu.yield
    }) : () -> ()
    %multiple_of3A = arith.constant 0 : i32
    %multiple_of3A_5 = tpu.assume_multiple %multiple_of3A, 8 : i32
    %dma_start3A = arith.constant 0 : i32
    %dma_start3A_6 = arith.constant 0 : i32
    %dma_start3A_7 = arith.constant 0 : i32
    %dma_start3A_8 = arith.constant 0 : i32
    %dma_start3A_9 = tpu.memref_slice %arg6[%dma_start3A, %dma_start3A_7, %dma_start3A_8] : memref<2x48x1024xf32, #tpu.memory_space<vmem>> -> memref<1x48x1024xf32, #tpu.memory_space<vmem>>
    %dma_start3A_10 = tpu.memref_squeeze %dma_start3A_9 : memref<1x48x1024xf32, #tpu.memory_space<vmem>> -> memref<48x1024xf32, #tpu.memory_space<vmem>>
    %dma_start3A_11 = tpu.memref_slice %arg5[%multiple_of3A_5] : memref<1792xi32, #tpu.memory_space<vmem>> -> memref<48xi32, #tpu.memory_space<vmem>>
    %dma_start3A_12 = arith.constant 0 : i32
    %dma_start3A_13 = arith.constant 0 : i32
    %dma_start3A_14 = tpu.memref_slice %arg2[%dma_start3A_12, %dma_start3A_13] : memref<1000x1024xf32, #tpu.memory_space<hbm>> -> memref<1000x1024xf32, #tpu.memory_space<hbm>>
    %dma_start3A_15 = tpu.memref_slice %arg8[%dma_start3A_6] : memref<2x!tpu.dma_semaphore, #tpu.memory_space<semaphore_mem>> -> memref<1x!tpu.dma_semaphore, #tpu.memory_space<semaphore_mem>>
    %dma_start3A_16 = tpu.memref_squeeze %dma_start3A_15 : memref<1x!tpu.dma_semaphore, #tpu.memory_space<semaphore_mem>> -> memref<!tpu.dma_semaphore, #tpu.memory_space<semaphore_mem>>
    tpu.enqueue_indirect_dma source(%dma_start3A_14 : memref<1000x1024xf32, #tpu.memory_space<hbm>>) target(%dma_start3A_10 : memref<48x1024xf32, #tpu.memory_space<vmem>>) offsets(%dma_start3A_11 : memref<48xi32, #tpu.memory_space<vmem>>) semaphore(%dma_start3A_16 : memref<!tpu.dma_semaphore, #tpu.memory_space<semaphore_mem>>)
    %multiple_of3A_17 = arith.constant 56 : i32
    %multiple_of3A_18 = tpu.assume_multiple %multiple_of3A_17, 8 : i32
    %dma_start3A_19 = arith.constant 1 : i32
    %dma_start3A_20 = arith.constant 1 : i32
    %dma_start3A_21 = arith.constant 0 : i32
    %dma_start3A_22 = arith.constant 0 : i32
    %dma_start3A_23 = tpu.memref_slice %arg6[%dma_start3A_19, %dma_start3A_21, %dma_start3A_22] : memref<2x48x1024xf32, #tpu.memory_space<vmem>> -> memref<1x48x1024xf32, #tpu.memory_space<vmem>>
    %dma_start3A_24 = tpu.memref_squeeze %dma_start3A_23 : memref<1x48x1024xf32, #tpu.memory_space<vmem>> -> memref<48x1024xf32, #tpu.memory_space<vmem>>
    %dma_start3A_25 = tpu.memref_slice %arg5[%multiple_of3A_18] : memref<1792xi32, #tpu.memory_space<vmem>> -> memref<48xi32, #tpu.memory_space<vmem>>
    %dma_start3A_26 = arith.constant 0 : i32
    %dma_start3A_27 = arith.constant 0 : i32
    %dma_start3A_28 = tpu.memref_slice %arg2[%dma_start3A_26, %dma_start3A_27] : memref<1000x1024xf32, #tpu.memory_space<hbm>> -> memref<1000x1024xf32, #tpu.memory_space<hbm>>
    %dma_start3A_29 = tpu.memref_slice %arg8[%dma_start3A_20] : memref<2x!tpu.dma_semaphore, #tpu.memory_space<semaphore_mem>> -> memref<1x!tpu.dma_semaphore, #tpu.memory_space<semaphore_mem>>
    %dma_start3A_30 = tpu.memref_squeeze %dma_start3A_29 : memref<1x!tpu.dma_semaphore, #tpu.memory_space<semaphore_mem>> -> memref<!tpu.dma_semaphore, #tpu.memory_space<semaphore_mem>>
    tpu.enqueue_indirect_dma source(%dma_start3A_28 : memref<1000x1024xf32, #tpu.memory_space<hbm>>) target(%dma_start3A_24 : memref<48x1024xf32, #tpu.memory_space<vmem>>) offsets(%dma_start3A_25 : memref<48xi32, #tpu.memory_space<vmem>>) semaphore(%dma_start3A_30 : memref<!tpu.dma_semaphore, #tpu.memory_space<semaphore_mem>>)
    %scan3A = arith.constant 0 : i32
    %scan3A_31 = arith.constant 15 : i32
    %scan3A_32 = arith.addi %scan3A, %scan3A_31 : i32
    %scan3A_33 = arith.constant 1 : i32
    scf.for %scan3A_248 = %scan3A to %scan3A_32 step %scan3A_33  : i32 {
      %mul3A_249 = arith.constant 2 : i32
      %mul3A_250 = arith.muli %scan3A_248, %mul3A_249 : i32
      %add3A_251 = arith.constant 0 : i32
      %add3A_252 = arith.addi %add3A_251, %mul3A_250 : i32
      %add3A_253 = arith.constant 0 : i32
      %add3A_254 = arith.addi %add3A_252, %add3A_253 : i32
      %mul3A_255 = arith.constant 56 : i32
      %mul3A_256 = arith.muli %add3A_254, %mul3A_255 : i32
      %multiple_of3A_257 = tpu.assume_multiple %mul3A_256, 8 : i32
      %dma_wait3A_258 = arith.constant 0 : i32
      %dma_wait3A_259 = arith.constant 0 : i32
      %dma_wait3A_260 = arith.constant 0 : i32
      %dma_wait3A_261 = arith.constant 0 : i32
      %dma_wait3A_262 = tpu.memref_slice %arg6[%dma_wait3A_258, %dma_wait3A_260, %dma_wait3A_261] : memref<2x48x1024xf32, #tpu.memory_space<vmem>> -> memref<1x48x1024xf32, #tpu.memory_space<vmem>>
      %dma_wait3A_263 = tpu.memref_squeeze %dma_wait3A_262 : memref<1x48x1024xf32, #tpu.memory_space<vmem>> -> memref<48x1024xf32, #tpu.memory_space<vmem>>
      %dma_wait3A_264 = tpu.memref_slice %arg5[%multiple_of3A_257] : memref<1792xi32, #tpu.memory_space<vmem>> -> memref<48xi32, #tpu.memory_space<vmem>>
      %dma_wait3A_265 = arith.constant 0 : i32
      %dma_wait3A_266 = arith.constant 0 : i32
      %dma_wait3A_267 = tpu.memref_slice %arg2[%dma_wait3A_265, %dma_wait3A_266] : memref<1000x1024xf32, #tpu.memory_space<hbm>> -> memref<1000x1024xf32, #tpu.memory_space<hbm>>
      %dma_wait3A_268 = tpu.memref_slice %arg8[%dma_wait3A_259] : memref<2x!tpu.dma_semaphore, #tpu.memory_space<semaphore_mem>> -> memref<1x!tpu.dma_semaphore, #tpu.memory_space<semaphore_mem>>
      %dma_wait3A_269 = tpu.memref_squeeze %dma_wait3A_268 : memref<1x!tpu.dma_semaphore, #tpu.memory_space<semaphore_mem>> -> memref<!tpu.dma_semaphore, #tpu.memory_space<semaphore_mem>>
      tpu.wait_indirect_dma semaphore(%dma_wait3A_269 : memref<!tpu.dma_semaphore, #tpu.memory_space<semaphore_mem>>) src(%dma_wait3A_267 : memref<1000x1024xf32, #tpu.memory_space<hbm>>) dst(%dma_wait3A_263 : memref<48x1024xf32, #tpu.memory_space<vmem>>)
      %scan3A_270 = arith.constant 0 : i32
      %scan3A_271 = arith.constant 48 : i32
      %scan3A_272 = arith.addi %scan3A_270, %scan3A_271 : i32
      %scan3A_273 = arith.constant 1 : i32
      scf.for %scan3A_511 = %scan3A_270 to %scan3A_272 step %scan3A_273  : i32 {
        %mul3A_512 = arith.constant 1 : i32
        %mul3A_513 = arith.muli %scan3A_511, %mul3A_512 : i32
        %add3A_514 = arith.constant 0 : i32
        %add3A_515 = arith.addi %add3A_514, %mul3A_513 : i32
        %get3A = arith.constant 0 : i32
        %get3A_516 = arith.index_cast %get3A : i32 to index
        %get3A_517 = arith.index_cast %add3A_515 : i32 to index
        %get3A_518 = arith.constant 896 : index
        %get3A_519 = tpu.vector_load %arg6[%get3A_516, %get3A_517, %get3A_518] {strides = array<i32>} : memref<2x48x1024xf32, #tpu.memory_space<vmem>>, vector<1x1x16xf32>,
        %get3A_520 = vector.shape_cast %get3A_519 : vector<1x1x16xf32> to vector<16xf32>
        %swap3A = arith.constant 0 : i32
        %swap3A_521 = arith.index_cast %swap3A : i32 to index
        %swap3A_522 = arith.index_cast %add3A_515 : i32 to index
        %swap3A_523 = arith.constant 0 : index
        %swap3A_524 = tpu.vector_load %arg7[%swap3A_521, %swap3A_522, %swap3A_523] {strides = array<i32>} : memref<2x48x104xf32, #tpu.memory_space<vmem>>, vector<1x1x16xf32>,
        %swap3A_525 = vector.shape_cast %swap3A_524 : vector<1x1x16xf32> to vector<16xf32>
        %swap3A_526 = vector.shape_cast %get3A_520 : vector<16xf32> to vector<1x1x16xf32>
        tpu.vector_store %arg7[%swap3A_521, %swap3A_522, %swap3A_523], %swap3A_526 {strides = array<i32>} : memref<2x48x104xf32, #tpu.memory_space<vmem>>, vector<1x1x16xf32>,
        %get3A_527 = arith.constant 0 : i32
        %get3A_528 = arith.index_cast %get3A_527 : i32 to index
        %get3A_529 = arith.index_cast %add3A_515 : i32 to index
        %get3A_530 = arith.constant 912 : index
        %get3A_531 = tpu.vector_load %arg6[%get3A_528, %get3A_529, %get3A_530] {strides = array<i32>} : memref<2x48x1024xf32, #tpu.memory_space<vmem>>, vector<1x1x16xf32>,
        %get3A_532 = vector.shape_cast %get3A_531 : vector<1x1x16xf32> to vector<16xf32>
        %swap3A_533 = arith.constant 0 : i32
        %swap3A_534 = arith.index_cast %swap3A_533 : i32 to index
        %swap3A_535 = arith.index_cast %add3A_515 : i32 to index
        %swap3A_536 = arith.constant 16 : index
        %swap3A_537 = tpu.vector_load %arg7[%swap3A_534, %swap3A_535, %swap3A_536] {strides = array<i32>} : memref<2x48x104xf32, #tpu.memory_space<vmem>>, vector<1x1x16xf32>,
        %swap3A_538 = vector.shape_cast %swap3A_537 : vector<1x1x16xf32> to vector<16xf32>
        %swap3A_539 = vector.shape_cast %get3A_532 : vector<16xf32> to vector<1x1x16xf32>
        tpu.vector_store %arg7[%swap3A_534, %swap3A_535, %swap3A_536], %swap3A_539 {strides = array<i32>} : memref<2x48x104xf32, #tpu.memory_space<vmem>>, vector<1x1x16xf32>,
        %get3A_540 = arith.constant 0 : i32
        %get3A_541 = arith.index_cast %get3A_540 : i32 to index
        %get3A_542 = arith.index_cast %add3A_515 : i32 to index
        %get3A_543 = arith.constant 928 : index
        %get3A_544 = tpu.vector_load %arg6[%get3A_541, %get3A_542, %get3A_543] {strides = array<i32>} : memref<2x48x1024xf32, #tpu.memory_space<vmem>>, vector<1x1x16xf32>,
        %get3A_545 = vector.shape_cast %get3A_544 : vector<1x1x16xf32> to vector<16xf32>
        %swap3A_546 = arith.constant 0 : i32
        %swap3A_547 = arith.index_cast %swap3A_546 : i32 to index
        %swap3A_548 = arith.index_cast %add3A_515 : i32 to index
        %swap3A_549 = arith.constant 32 : index
        %swap3A_550 = tpu.vector_load %arg7[%swap3A_547, %swap3A_548, %swap3A_549] {strides = array<i32>} : memref<2x48x104xf32, #tpu.memory_space<vmem>>, vector<1x1x16xf32>,
        %swap3A_551 = vector.shape_cast %swap3A_550 : vector<1x1x16xf32> to vector<16xf32>
        %swap3A_552 = vector.shape_cast %get3A_545 : vector<16xf32> to vector<1x1x16xf32>
        tpu.vector_store %arg7[%swap3A_547, %swap3A_548, %swap3A_549], %swap3A_552 {strides = array<i32>} : memref<2x48x104xf32, #tpu.memory_space<vmem>>, vector<1x1x16xf32>,
        %get3A_553 = arith.constant 0 : i32
        %get3A_554 = arith.index_cast %get3A_553 : i32 to index
        %get3A_555 = arith.index_cast %add3A_515 : i32 to index
        %get3A_556 = arith.constant 944 : index
        %get3A_557 = tpu.vector_load %arg6[%get3A_554, %get3A_555, %get3A_556] {strides = array<i32>} : memref<2x48x1024xf32, #tpu.memory_space<vmem>>, vector<1x1x16xf32>,
        %get3A_558 = vector.shape_cast %get3A_557 : vector<1x1x16xf32> to vector<16xf32>
        %swap3A_559 = arith.constant 0 : i32
        %swap3A_560 = arith.index_cast %swap3A_559 : i32 to index
        %swap3A_561 = arith.index_cast %add3A_515 : i32 to index
        %swap3A_562 = arith.constant 48 : index
        %swap3A_563 = tpu.vector_load %arg7[%swap3A_560, %swap3A_561, %swap3A_562] {strides = array<i32>} : memref<2x48x104xf32, #tpu.memory_space<vmem>>, vector<1x1x16xf32>,
        %swap3A_564 = vector.shape_cast %swap3A_563 : vector<1x1x16xf32> to vector<16xf32>
        %swap3A_565 = vector.shape_cast %get3A_558 : vector<16xf32> to vector<1x1x16xf32>
        tpu.vector_store %arg7[%swap3A_560, %swap3A_561, %swap3A_562], %swap3A_565 {strides = array<i32>} : memref<2x48x104xf32, #tpu.memory_space<vmem>>, vector<1x1x16xf32>,
        %get3A_566 = arith.constant 0 : i32
        %get3A_567 = arith.index_cast %get3A_566 : i32 to index
        %get3A_568 = arith.index_cast %add3A_515 : i32 to index
        %get3A_569 = arith.constant 960 : index
        %get3A_570 = tpu.vector_load %arg6[%get3A_567, %get3A_568, %get3A_569] {strides = array<i32>} : memref<2x48x1024xf32, #tpu.memory_space<vmem>>, vector<1x1x16xf32>,
        %get3A_571 = vector.shape_cast %get3A_570 : vector<1x1x16xf32> to vector<16xf32>
        %swap3A_572 = arith.constant 0 : i32
        %swap3A_573 = arith.index_cast %swap3A_572 : i32 to index
        %swap3A_574 = arith.index_cast %add3A_515 : i32 to index
        %swap3A_575 = arith.constant 64 : index
        %swap3A_576 = tpu.vector_load %arg7[%swap3A_573, %swap3A_574, %swap3A_575] {strides = array<i32>} : memref<2x48x104xf32, #tpu.memory_space<vmem>>, vector<1x1x16xf32>,
        %swap3A_577 = vector.shape_cast %swap3A_576 : vector<1x1x16xf32> to vector<16xf32>
        %swap3A_578 = vector.shape_cast %get3A_571 : vector<16xf32> to vector<1x1x16xf32>
        tpu.vector_store %arg7[%swap3A_573, %swap3A_574, %swap3A_575], %swap3A_578 {strides = array<i32>} : memref<2x48x104xf32, #tpu.memory_space<vmem>>, vector<1x1x16xf32>,
        %get3A_579 = arith.constant 0 : i32
        %get3A_580 = arith.index_cast %get3A_579 : i32 to index
        %get3A_581 = arith.index_cast %add3A_515 : i32 to index
        %get3A_582 = arith.constant 976 : index
        %get3A_583 = tpu.vector_load %arg6[%get3A_580, %get3A_581, %get3A_582] {strides = array<i32>} : memref<2x48x1024xf32, #tpu.memory_space<vmem>>, vector<1x1x16xf32>,
        %get3A_584 = vector.shape_cast %get3A_583 : vector<1x1x16xf32> to vector<16xf32>
        %swap3A_585 = arith.constant 0 : i32
        %swap3A_586 = arith.index_cast %swap3A_585 : i32 to index
        %swap3A_587 = arith.index_cast %add3A_515 : i32 to index
        %swap3A_588 = arith.constant 80 : index
        %swap3A_589 = tpu.vector_load %arg7[%swap3A_586, %swap3A_587, %swap3A_588] {strides = array<i32>} : memref<2x48x104xf32, #tpu.memory_space<vmem>>, vector<1x1x16xf32>,
        %swap3A_590 = vector.shape_cast %swap3A_589 : vector<1x1x16xf32> to vector<16xf32>
        %swap3A_591 = vector.shape_cast %get3A_584 : vector<16xf32> to vector<1x1x16xf32>
        tpu.vector_store %arg7[%swap3A_586, %swap3A_587, %swap3A_588], %swap3A_591 {strides = array<i32>} : memref<2x48x104xf32, #tpu.memory_space<vmem>>, vector<1x1x16xf32>,
        %get3A_592 = arith.constant 0 : i32
        %get3A_593 = arith.index_cast %get3A_592 : i32 to index
        %get3A_594 = arith.index_cast %add3A_515 : i32 to index
        %get3A_595 = arith.constant 984 : index
        %get3A_596 = tpu.vector_load %arg6[%get3A_593, %get3A_594, %get3A_595] {strides = array<i32>} : memref<2x48x1024xf32, #tpu.memory_space<vmem>>, vector<1x1x16xf32>,
        %get3A_597 = vector.shape_cast %get3A_596 : vector<1x1x16xf32> to vector<16xf32>
        %swap3A_598 = arith.constant 0 : i32
        %swap3A_599 = arith.index_cast %swap3A_598 : i32 to index
        %swap3A_600 = arith.index_cast %add3A_515 : i32 to index
        %swap3A_601 = arith.constant 88 : index
        %swap3A_602 = tpu.vector_load %arg7[%swap3A_599, %swap3A_600, %swap3A_601] {strides = array<i32>} : memref<2x48x104xf32, #tpu.memory_space<vmem>>, vector<1x1x16xf32>,
        %swap3A_603 = vector.shape_cast %swap3A_602 : vector<1x1x16xf32> to vector<16xf32>
        %swap3A_604 = vector.shape_cast %get3A_597 : vector<16xf32> to vector<1x1x16xf32>
        tpu.vector_store %arg7[%swap3A_599, %swap3A_600, %swap3A_601], %swap3A_604 {strides = array<i32>} : memref<2x48x104xf32, #tpu.memory_space<vmem>>, vector<1x1x16xf32>,
      }
      %scan3A_274 = arith.constant 48 : i32
      %add3A_275 = arith.constant 0 : i32
      %add3A_276 = arith.addi %add3A_252, %add3A_275 : i32
      %add3A_277 = arith.addi %mul3A_2, %add3A_276 : i32
      %dma_start3A_278 = arith.constant 0 : i32
      %dma_start3A_279 = arith.constant 0 : i32
      %dma_start3A_280 = arith.constant 0 : i32
      %dma_start3A_281 = arith.constant 0 : i32
      %dma_start3A_282 = tpu.memref_slice %arg6[%dma_start3A_278, %dma_start3A_280, %dma_start3A_281] : memref<2x48x1024xf32, #tpu.memory_space<vmem>> -> memref<1x48x896xf32, #tpu.memory_space<vmem>>
      %dma_start3A_283 = tpu.memref_squeeze %dma_start3A_282 : memref<1x48x896xf32, #tpu.memory_space<vmem>> -> memref<48x896xf32, #tpu.memory_space<vmem>>
      %dma_start3A_284 = arith.constant 0 : i32
      %dma_start3A_285 = arith.constant 0 : i32
      %dma_start3A_286 = tpu.memref_slice %arg4[%add3A_277, %dma_start3A_284, %dma_start3A_285] : memref<1024x50x1000xf32, #tpu.memory_space<hbm>> -> memref<1x48x896xf32, #tpu.memory_space<hbm>>
      %dma_start3A_287 = tpu.memref_squeeze %dma_start3A_286 : memref<1x48x896xf32, #tpu.memory_space<hbm>> -> memref<48x896xf32, #tpu.memory_space<hbm>>
      %dma_start3A_288 = tpu.memref_slice %arg9[%dma_start3A_279] : memref<2x!tpu.dma_semaphore, #tpu.memory_space<semaphore_mem>> -> memref<1x!tpu.dma_semaphore, #tpu.memory_space<semaphore_mem>>
      %dma_start3A_289 = tpu.memref_squeeze %dma_start3A_288 : memref<1x!tpu.dma_semaphore, #tpu.memory_space<semaphore_mem>> -> memref<!tpu.dma_semaphore, #tpu.memory_space<semaphore_mem>>
      %dma_start3A_290 = arith.constant 0 : i32
      %dma_start3A_291 = arith.constant 0 : i32
      %dma_start3A_292 = tpu.memref_slice %arg4[%add3A_277, %dma_start3A_290, %dma_start3A_291] : memref<1024x50x1000xf32, #tpu.memory_space<hbm>> -> memref<1x48x896xf32, #tpu.memory_space<hbm>>
      %dma_start3A_293 = tpu.memref_squeeze %dma_start3A_292 : memref<1x48x896xf32, #tpu.memory_space<hbm>> -> memref<48x896xf32, #tpu.memory_space<hbm>>
      %dma_start3A_294 = arith.constant 0 : i32
      %dma_start3A_295 = arith.constant 0 : i32
      %dma_start3A_296 = tpu.memref_slice %arg6[%dma_start3A_278, %dma_start3A_294, %dma_start3A_295] : memref<2x48x1024xf32, #tpu.memory_space<vmem>> -> memref<1x48x896xf32, #tpu.memory_space<vmem>>
      %dma_start3A_297 = tpu.memref_squeeze %dma_start3A_296 : memref<1x48x896xf32, #tpu.memory_space<vmem>> -> memref<48x896xf32, #tpu.memory_space<vmem>>
      tpu.enqueue_dma source(%dma_start3A_297 : memref<48x896xf32, #tpu.memory_space<vmem>>) target(%dma_start3A_293 : memref<48x896xf32, #tpu.memory_space<hbm>>) target_semaphore(%dma_start3A_289 : memref<!tpu.dma_semaphore, #tpu.memory_space<semaphore_mem>>)
      %add3A_298 = arith.addi %mul3A_2, %add3A_276 : i32
      %dma_start3A_299 = arith.constant 0 : i32
      %dma_start3A_300 = arith.constant 0 : i32
      %dma_start3A_301 = arith.constant 0 : i32
      %dma_start3A_302 = arith.constant 0 : i32
      %dma_start3A_303 = tpu.memref_slice %arg7[%dma_start3A_299, %dma_start3A_301, %dma_start3A_302] : memref<2x48x104xf32, #tpu.memory_space<vmem>> -> memref<1x48x104xf32, #tpu.memory_space<vmem>>
      %dma_start3A_304 = tpu.memref_squeeze %dma_start3A_303 : memref<1x48x104xf32, #tpu.memory_space<vmem>> -> memref<48x104xf32, #tpu.memory_space<vmem>>
      %dma_start3A_305 = arith.constant 0 : i32
      %dma_start3A_306 = arith.constant 896 : i32
      %dma_start3A_307 = tpu.memref_slice %arg4[%add3A_298, %dma_start3A_305, %dma_start3A_306] : memref<1024x50x1000xf32, #tpu.memory_space<hbm>> -> memref<1x48x104xf32, #tpu.memory_space<hbm>>
      %dma_start3A_308 = tpu.memref_squeeze %dma_start3A_307 : memref<1x48x104xf32, #tpu.memory_space<hbm>> -> memref<48x104xf32, #tpu.memory_space<hbm>>
      %dma_start3A_309 = tpu.memref_slice %arg9[%dma_start3A_300] : memref<2x!tpu.dma_semaphore, #tpu.memory_space<semaphore_mem>> -> memref<1x!tpu.dma_semaphore, #tpu.memory_space<semaphore_mem>>
      %dma_start3A_310 = tpu.memref_squeeze %dma_start3A_309 : memref<1x!tpu.dma_semaphore, #tpu.memory_space<semaphore_mem>> -> memref<!tpu.dma_semaphore, #tpu.memory_space<semaphore_mem>>
      %dma_start3A_311 = arith.constant 0 : i32
      %dma_start3A_312 = arith.constant 896 : i32
      %dma_start3A_313 = tpu.memref_slice %arg4[%add3A_298, %dma_start3A_311, %dma_start3A_312] : memref<1024x50x1000xf32, #tpu.memory_space<hbm>> -> memref<1x48x104xf32, #tpu.memory_space<hbm>>
      %dma_start3A_314 = tpu.memref_squeeze %dma_start3A_313 : memref<1x48x104xf32, #tpu.memory_space<hbm>> -> memref<48x104xf32, #tpu.memory_space<hbm>>
      %dma_start3A_315 = arith.constant 0 : i32
      %dma_start3A_316 = arith.constant 0 : i32
      %dma_start3A_317 = tpu.memref_slice %arg7[%dma_start3A_299, %dma_start3A_315, %dma_start3A_316] : memref<2x48x104xf32, #tpu.memory_space<vmem>> -> memref<1x48x104xf32, #tpu.memory_space<vmem>>
      %dma_start3A_318 = tpu.memref_squeeze %dma_start3A_317 : memref<1x48x104xf32, #tpu.memory_space<vmem>> -> memref<48x104xf32, #tpu.memory_space<vmem>>
      tpu.enqueue_dma source(%dma_start3A_318 : memref<48x104xf32, #tpu.memory_space<vmem>>) target(%dma_start3A_314 : memref<48x104xf32, #tpu.memory_space<hbm>>) target_semaphore(%dma_start3A_310 : memref<!tpu.dma_semaphore, #tpu.memory_space<semaphore_mem>>)
      %add3A_319 = arith.constant 1 : i32
      %add3A_320 = arith.addi %add3A_252, %add3A_319 : i32
      %mul3A_321 = arith.constant 56 : i32
      %mul3A_322 = arith.muli %add3A_320, %mul3A_321 : i32
      %multiple_of3A_323 = tpu.assume_multiple %mul3A_322, 8 : i32
      %dma_wait3A_324 = arith.constant 1 : i32
      %dma_wait3A_325 = arith.constant 1 : i32
      %dma_wait3A_326 = arith.constant 0 : i32
      %dma_wait3A_327 = arith.constant 0 : i32
      %dma_wait3A_328 = tpu.memref_slice %arg6[%dma_wait3A_324, %dma_wait3A_326, %dma_wait3A_327] : memref<2x48x1024xf32, #tpu.memory_space<vmem>> -> memref<1x48x1024xf32, #tpu.memory_space<vmem>>
      %dma_wait3A_329 = tpu.memref_squeeze %dma_wait3A_328 : memref<1x48x1024xf32, #tpu.memory_space<vmem>> -> memref<48x1024xf32, #tpu.memory_space<vmem>>
      %dma_wait3A_330 = tpu.memref_slice %arg5[%multiple_of3A_323] : memref<1792xi32, #tpu.memory_space<vmem>> -> memref<48xi32, #tpu.memory_space<vmem>>
      %dma_wait3A_331 = arith.constant 0 : i32
      %dma_wait3A_332 = arith.constant 0 : i32
      %dma_wait3A_333 = tpu.memref_slice %arg2[%dma_wait3A_331, %dma_wait3A_332] : memref<1000x1024xf32, #tpu.memory_space<hbm>> -> memref<1000x1024xf32, #tpu.memory_space<hbm>>
      %dma_wait3A_334 = tpu.memref_slice %arg8[%dma_wait3A_325] : memref<2x!tpu.dma_semaphore, #tpu.memory_space<semaphore_mem>> -> memref<1x!tpu.dma_semaphore, #tpu.memory_space<semaphore_mem>>
      %dma_wait3A_335 = tpu.memref_squeeze %dma_wait3A_334 : memref<1x!tpu.dma_semaphore, #tpu.memory_space<semaphore_mem>> -> memref<!tpu.dma_semaphore, #tpu.memory_space<semaphore_mem>>
      tpu.wait_indirect_dma semaphore(%dma_wait3A_335 : memref<!tpu.dma_semaphore, #tpu.memory_space<semaphore_mem>>) src(%dma_wait3A_333 : memref<1000x1024xf32, #tpu.memory_space<hbm>>) dst(%dma_wait3A_329 : memref<48x1024xf32, #tpu.memory_space<vmem>>)
      %scan3A_336 = arith.constant 0 : i32
      %scan3A_337 = arith.constant 48 : i32
      %scan3A_338 = arith.addi %scan3A_336, %scan3A_337 : i32
      %scan3A_339 = arith.constant 1 : i32
      scf.for %scan3A_511 = %scan3A_336 to %scan3A_338 step %scan3A_339  : i32 {
        %mul3A_512 = arith.constant 1 : i32
        %mul3A_513 = arith.muli %scan3A_511, %mul3A_512 : i32
        %add3A_514 = arith.constant 0 : i32
        %add3A_515 = arith.addi %add3A_514, %mul3A_513 : i32
        %get3A = arith.constant 1 : i32
        %get3A_516 = arith.index_cast %get3A : i32 to index
        %get3A_517 = arith.index_cast %add3A_515 : i32 to index
        %get3A_518 = arith.constant 896 : index
        %get3A_519 = tpu.vector_load %arg6[%get3A_516, %get3A_517, %get3A_518] {strides = array<i32>} : memref<2x48x1024xf32, #tpu.memory_space<vmem>>, vector<1x1x16xf32>,
        %get3A_520 = vector.shape_cast %get3A_519 : vector<1x1x16xf32> to vector<16xf32>
        %swap3A = arith.constant 1 : i32
        %swap3A_521 = arith.index_cast %swap3A : i32 to index
        %swap3A_522 = arith.index_cast %add3A_515 : i32 to index
        %swap3A_523 = arith.constant 0 : index
        %swap3A_524 = tpu.vector_load %arg7[%swap3A_521, %swap3A_522, %swap3A_523] {strides = array<i32>} : memref<2x48x104xf32, #tpu.memory_space<vmem>>, vector<1x1x16xf32>,
        %swap3A_525 = vector.shape_cast %swap3A_524 : vector<1x1x16xf32> to vector<16xf32>
        %swap3A_526 = vector.shape_cast %get3A_520 : vector<16xf32> to vector<1x1x16xf32>
        tpu.vector_store %arg7[%swap3A_521, %swap3A_522, %swap3A_523], %swap3A_526 {strides = array<i32>} : memref<2x48x104xf32, #tpu.memory_space<vmem>>, vector<1x1x16xf32>,
        %get3A_527 = arith.constant 1 : i32
        %get3A_528 = arith.index_cast %get3A_527 : i32 to index
        %get3A_529 = arith.index_cast %add3A_515 : i32 to index
        %get3A_530 = arith.constant 912 : index
        %get3A_531 = tpu.vector_load %arg6[%get3A_528, %get3A_529, %get3A_530] {strides = array<i32>} : memref<2x48x1024xf32, #tpu.memory_space<vmem>>, vector<1x1x16xf32>,
        %get3A_532 = vector.shape_cast %get3A_531 : vector<1x1x16xf32> to vector<16xf32>
        %swap3A_533 = arith.constant 1 : i32
        %swap3A_534 = arith.index_cast %swap3A_533 : i32 to index
        %swap3A_535 = arith.index_cast %add3A_515 : i32 to index
        %swap3A_536 = arith.constant 16 : index
        %swap3A_537 = tpu.vector_load %arg7[%swap3A_534, %swap3A_535, %swap3A_536] {strides = array<i32>} : memref<2x48x104xf32, #tpu.memory_space<vmem>>, vector<1x1x16xf32>,
        %swap3A_538 = vector.shape_cast %swap3A_537 : vector<1x1x16xf32> to vector<16xf32>
        %swap3A_539 = vector.shape_cast %get3A_532 : vector<16xf32> to vector<1x1x16xf32>
        tpu.vector_store %arg7[%swap3A_534, %swap3A_535, %swap3A_536], %swap3A_539 {strides = array<i32>} : memref<2x48x104xf32, #tpu.memory_space<vmem>>, vector<1x1x16xf32>,
        %get3A_540 = arith.constant 1 : i32
        %get3A_541 = arith.index_cast %get3A_540 : i32 to index
        %get3A_542 = arith.index_cast %add3A_515 : i32 to index
        %get3A_543 = arith.constant 928 : index
        %get3A_544 = tpu.vector_load %arg6[%get3A_541, %get3A_542, %get3A_543] {strides = array<i32>} : memref<2x48x1024xf32, #tpu.memory_space<vmem>>, vector<1x1x16xf32>,
        %get3A_545 = vector.shape_cast %get3A_544 : vector<1x1x16xf32> to vector<16xf32>
        %swap3A_546 = arith.constant 1 : i32
        %swap3A_547 = arith.index_cast %swap3A_546 : i32 to index
        %swap3A_548 = arith.index_cast %add3A_515 : i32 to index
        %swap3A_549 = arith.constant 32 : index
        %swap3A_550 = tpu.vector_load %arg7[%swap3A_547, %swap3A_548, %swap3A_549] {strides = array<i32>} : memref<2x48x104xf32, #tpu.memory_space<vmem>>, vector<1x1x16xf32>,
        %swap3A_551 = vector.shape_cast %swap3A_550 : vector<1x1x16xf32> to vector<16xf32>
        %swap3A_552 = vector.shape_cast %get3A_545 : vector<16xf32> to vector<1x1x16xf32>
        tpu.vector_store %arg7[%swap3A_547, %swap3A_548, %swap3A_549], %swap3A_552 {strides = array<i32>} : memref<2x48x104xf32, #tpu.memory_space<vmem>>, vector<1x1x16xf32>,
        %get3A_553 = arith.constant 1 : i32
        %get3A_554 = arith.index_cast %get3A_553 : i32 to index
        %get3A_555 = arith.index_cast %add3A_515 : i32 to index
        %get3A_556 = arith.constant 944 : index
        %get3A_557 = tpu.vector_load %arg6[%get3A_554, %get3A_555, %get3A_556] {strides = array<i32>} : memref<2x48x1024xf32, #tpu.memory_space<vmem>>, vector<1x1x16xf32>,
        %get3A_558 = vector.shape_cast %get3A_557 : vector<1x1x16xf32> to vector<16xf32>
        %swap3A_559 = arith.constant 1 : i32
        %swap3A_560 = arith.index_cast %swap3A_559 : i32 to index
        %swap3A_561 = arith.index_cast %add3A_515 : i32 to index
        %swap3A_562 = arith.constant 48 : index
        %swap3A_563 = tpu.vector_load %arg7[%swap3A_560, %swap3A_561, %swap3A_562] {strides = array<i32>} : memref<2x48x104xf32, #tpu.memory_space<vmem>>, vector<1x1x16xf32>,
        %swap3A_564 = vector.shape_cast %swap3A_563 : vector<1x1x16xf32> to vector<16xf32>
        %swap3A_565 = vector.shape_cast %get3A_558 : vector<16xf32> to vector<1x1x16xf32>
        tpu.vector_store %arg7[%swap3A_560, %swap3A_561, %swap3A_562], %swap3A_565 {strides = array<i32>} : memref<2x48x104xf32, #tpu.memory_space<vmem>>, vector<1x1x16xf32>,
        %get3A_566 = arith.constant 1 : i32
        %get3A_567 = arith.index_cast %get3A_566 : i32 to index
        %get3A_568 = arith.index_cast %add3A_515 : i32 to index
        %get3A_569 = arith.constant 960 : index
        %get3A_570 = tpu.vector_load %arg6[%get3A_567, %get3A_568, %get3A_569] {strides = array<i32>} : memref<2x48x1024xf32, #tpu.memory_space<vmem>>, vector<1x1x16xf32>,
        %get3A_571 = vector.shape_cast %get3A_570 : vector<1x1x16xf32> to vector<16xf32>
        %swap3A_572 = arith.constant 1 : i32
        %swap3A_573 = arith.index_cast %swap3A_572 : i32 to index
        %swap3A_574 = arith.index_cast %add3A_515 : i32 to index
        %swap3A_575 = arith.constant 64 : index
        %swap3A_576 = tpu.vector_load %arg7[%swap3A_573, %swap3A_574, %swap3A_575] {strides = array<i32>} : memref<2x48x104xf32, #tpu.memory_space<vmem>>, vector<1x1x16xf32>,
        %swap3A_577 = vector.shape_cast %swap3A_576 : vector<1x1x16xf32> to vector<16xf32>
        %swap3A_578 = vector.shape_cast %get3A_571 : vector<16xf32> to vector<1x1x16xf32>
        tpu.vector_store %arg7[%swap3A_573, %swap3A_574, %swap3A_575], %swap3A_578 {strides = array<i32>} : memref<2x48x104xf32, #tpu.memory_space<vmem>>, vector<1x1x16xf32>,
        %get3A_579 = arith.constant 1 : i32
        %get3A_580 = arith.index_cast %get3A_579 : i32 to index
        %get3A_581 = arith.index_cast %add3A_515 : i32 to index
        %get3A_582 = arith.constant 976 : index
        %get3A_583 = tpu.vector_load %arg6[%get3A_580, %get3A_581, %get3A_582] {strides = array<i32>} : memref<2x48x1024xf32, #tpu.memory_space<vmem>>, vector<1x1x16xf32>,
        %get3A_584 = vector.shape_cast %get3A_583 : vector<1x1x16xf32> to vector<16xf32>
        %swap3A_585 = arith.constant 1 : i32
        %swap3A_586 = arith.index_cast %swap3A_585 : i32 to index
        %swap3A_587 = arith.index_cast %add3A_515 : i32 to index
        %swap3A_588 = arith.constant 80 : index
        %swap3A_589 = tpu.vector_load %arg7[%swap3A_586, %swap3A_587, %swap3A_588] {strides = array<i32>} : memref<2x48x104xf32, #tpu.memory_space<vmem>>, vector<1x1x16xf32>,
        %swap3A_590 = vector.shape_cast %swap3A_589 : vector<1x1x16xf32> to vector<16xf32>
        %swap3A_591 = vector.shape_cast %get3A_584 : vector<16xf32> to vector<1x1x16xf32>
        tpu.vector_store %arg7[%swap3A_586, %swap3A_587, %swap3A_588], %swap3A_591 {strides = array<i32>} : memref<2x48x104xf32, #tpu.memory_space<vmem>>, vector<1x1x16xf32>,
        %get3A_592 = arith.constant 1 : i32
        %get3A_593 = arith.index_cast %get3A_592 : i32 to index
        %get3A_594 = arith.index_cast %add3A_515 : i32 to index
        %get3A_595 = arith.constant 984 : index
        %get3A_596 = tpu.vector_load %arg6[%get3A_593, %get3A_594, %get3A_595] {strides = array<i32>} : memref<2x48x1024xf32, #tpu.memory_space<vmem>>, vector<1x1x16xf32>,
        %get3A_597 = vector.shape_cast %get3A_596 : vector<1x1x16xf32> to vector<16xf32>
        %swap3A_598 = arith.constant 1 : i32
        %swap3A_599 = arith.index_cast %swap3A_598 : i32 to index
        %swap3A_600 = arith.index_cast %add3A_515 : i32 to index
        %swap3A_601 = arith.constant 88 : index
        %swap3A_602 = tpu.vector_load %arg7[%swap3A_599, %swap3A_600, %swap3A_601] {strides = array<i32>} : memref<2x48x104xf32, #tpu.memory_space<vmem>>, vector<1x1x16xf32>,
        %swap3A_603 = vector.shape_cast %swap3A_602 : vector<1x1x16xf32> to vector<16xf32>
        %swap3A_604 = vector.shape_cast %get3A_597 : vector<16xf32> to vector<1x1x16xf32>
        tpu.vector_store %arg7[%swap3A_599, %swap3A_600, %swap3A_601], %swap3A_604 {strides = array<i32>} : memref<2x48x104xf32, #tpu.memory_space<vmem>>, vector<1x1x16xf32>,
      }
      %scan3A_340 = arith.constant 48 : i32
      %add3A_341 = arith.constant 1 : i32
      %add3A_342 = arith.addi %add3A_252, %add3A_341 : i32
      %add3A_343 = arith.addi %mul3A_2, %add3A_342 : i32
      %dma_start3A_344 = arith.constant 1 : i32
      %dma_start3A_345 = arith.constant 1 : i32
      %dma_start3A_346 = arith.constant 0 : i32
      %dma_start3A_347 = arith.constant 0 : i32
      %dma_start3A_348 = tpu.memref_slice %arg6[%dma_start3A_344, %dma_start3A_346, %dma_start3A_347] : memref<2x48x1024xf32, #tpu.memory_space<vmem>> -> memref<1x48x896xf32, #tpu.memory_space<vmem>>
      %dma_start3A_349 = tpu.memref_squeeze %dma_start3A_348 : memref<1x48x896xf32, #tpu.memory_space<vmem>> -> memref<48x896xf32, #tpu.memory_space<vmem>>
      %dma_start3A_350 = arith.constant 0 : i32
      %dma_start3A_351 = arith.constant 0 : i32
      %dma_start3A_352 = tpu.memref_slice %arg4[%add3A_343, %dma_start3A_350, %dma_start3A_351] : memref<1024x50x1000xf32, #tpu.memory_space<hbm>> -> memref<1x48x896xf32, #tpu.memory_space<hbm>>
      %dma_start3A_353 = tpu.memref_squeeze %dma_start3A_352 : memref<1x48x896xf32, #tpu.memory_space<hbm>> -> memref<48x896xf32, #tpu.memory_space<hbm>>
      %dma_start3A_354 = tpu.memref_slice %arg9[%dma_start3A_345] : memref<2x!tpu.dma_semaphore, #tpu.memory_space<semaphore_mem>> -> memref<1x!tpu.dma_semaphore, #tpu.memory_space<semaphore_mem>>
      %dma_start3A_355 = tpu.memref_squeeze %dma_start3A_354 : memref<1x!tpu.dma_semaphore, #tpu.memory_space<semaphore_mem>> -> memref<!tpu.dma_semaphore, #tpu.memory_space<semaphore_mem>>
      %dma_start3A_356 = arith.constant 0 : i32
      %dma_start3A_357 = arith.constant 0 : i32
      %dma_start3A_358 = tpu.memref_slice %arg4[%add3A_343, %dma_start3A_356, %dma_start3A_357] : memref<1024x50x1000xf32, #tpu.memory_space<hbm>> -> memref<1x48x896xf32, #tpu.memory_space<hbm>>
      %dma_start3A_359 = tpu.memref_squeeze %dma_start3A_358 : memref<1x48x896xf32, #tpu.memory_space<hbm>> -> memref<48x896xf32, #tpu.memory_space<hbm>>
      %dma_start3A_360 = arith.constant 0 : i32
      %dma_start3A_361 = arith.constant 0 : i32
      %dma_start3A_362 = tpu.memref_slice %arg6[%dma_start3A_344, %dma_start3A_360, %dma_start3A_361] : memref<2x48x1024xf32, #tpu.memory_space<vmem>> -> memref<1x48x896xf32, #tpu.memory_space<vmem>>
      %dma_start3A_363 = tpu.memref_squeeze %dma_start3A_362 : memref<1x48x896xf32, #tpu.memory_space<vmem>> -> memref<48x896xf32, #tpu.memory_space<vmem>>
      tpu.enqueue_dma source(%dma_start3A_363 : memref<48x896xf32, #tpu.memory_space<vmem>>) target(%dma_start3A_359 : memref<48x896xf32, #tpu.memory_space<hbm>>) target_semaphore(%dma_start3A_355 : memref<!tpu.dma_semaphore, #tpu.memory_space<semaphore_mem>>)
      %add3A_364 = arith.addi %mul3A_2, %add3A_342 : i32
      %dma_start3A_365 = arith.constant 1 : i32
      %dma_start3A_366 = arith.constant 1 : i32
      %dma_start3A_367 = arith.constant 0 : i32
      %dma_start3A_368 = arith.constant 0 : i32
      %dma_start3A_369 = tpu.memref_slice %arg7[%dma_start3A_365, %dma_start3A_367, %dma_start3A_368] : memref<2x48x104xf32, #tpu.memory_space<vmem>> -> memref<1x48x104xf32, #tpu.memory_space<vmem>>
      %dma_start3A_370 = tpu.memref_squeeze %dma_start3A_369 : memref<1x48x104xf32, #tpu.memory_space<vmem>> -> memref<48x104xf32, #tpu.memory_space<vmem>>
      %dma_start3A_371 = arith.constant 0 : i32
      %dma_start3A_372 = arith.constant 896 : i32
      %dma_start3A_373 = tpu.memref_slice %arg4[%add3A_364, %dma_start3A_371, %dma_start3A_372] : memref<1024x50x1000xf32, #tpu.memory_space<hbm>> -> memref<1x48x104xf32, #tpu.memory_space<hbm>>
      %dma_start3A_374 = tpu.memref_squeeze %dma_start3A_373 : memref<1x48x104xf32, #tpu.memory_space<hbm>> -> memref<48x104xf32, #tpu.memory_space<hbm>>
      %dma_start3A_375 = tpu.memref_slice %arg9[%dma_start3A_366] : memref<2x!tpu.dma_semaphore, #tpu.memory_space<semaphore_mem>> -> memref<1x!tpu.dma_semaphore, #tpu.memory_space<semaphore_mem>>
      %dma_start3A_376 = tpu.memref_squeeze %dma_start3A_375 : memref<1x!tpu.dma_semaphore, #tpu.memory_space<semaphore_mem>> -> memref<!tpu.dma_semaphore, #tpu.memory_space<semaphore_mem>>
      %dma_start3A_377 = arith.constant 0 : i32
      %dma_start3A_378 = arith.constant 896 : i32
      %dma_start3A_379 = tpu.memref_slice %arg4[%add3A_364, %dma_start3A_377, %dma_start3A_378] : memref<1024x50x1000xf32, #tpu.memory_space<hbm>> -> memref<1x48x104xf32, #tpu.memory_space<hbm>>
      %dma_start3A_380 = tpu.memref_squeeze %dma_start3A_379 : memref<1x48x104xf32, #tpu.memory_space<hbm>> -> memref<48x104xf32, #tpu.memory_space<hbm>>
      %dma_start3A_381 = arith.constant 0 : i32
      %dma_start3A_382 = arith.constant 0 : i32
      %dma_start3A_383 = tpu.memref_slice %arg7[%dma_start3A_365, %dma_start3A_381, %dma_start3A_382] : memref<2x48x104xf32, #tpu.memory_space<vmem>> -> memref<1x48x104xf32, #tpu.memory_space<vmem>>
      %dma_start3A_384 = tpu.memref_squeeze %dma_start3A_383 : memref<1x48x104xf32, #tpu.memory_space<vmem>> -> memref<48x104xf32, #tpu.memory_space<vmem>>
      tpu.enqueue_dma source(%dma_start3A_384 : memref<48x104xf32, #tpu.memory_space<vmem>>) target(%dma_start3A_380 : memref<48x104xf32, #tpu.memory_space<hbm>>) target_semaphore(%dma_start3A_376 : memref<!tpu.dma_semaphore, #tpu.memory_space<semaphore_mem>>)
      %add3A_385 = arith.constant 0 : i32
      %add3A_386 = arith.addi %add3A_252, %add3A_385 : i32
      %add3A_387 = arith.addi %mul3A_2, %add3A_386 : i32
      %dma_wait3A_388 = arith.constant 0 : i32
      %dma_wait3A_389 = arith.constant 0 : i32
      %dma_wait3A_390 = arith.constant 0 : i32
      %dma_wait3A_391 = arith.constant 0 : i32
      %dma_wait3A_392 = tpu.memref_slice %arg6[%dma_wait3A_388, %dma_wait3A_390, %dma_wait3A_391] : memref<2x48x1024xf32, #tpu.memory_space<vmem>> -> memref<1x48x896xf32, #tpu.memory_space<vmem>>
      %dma_wait3A_393 = tpu.memref_squeeze %dma_wait3A_392 : memref<1x48x896xf32, #tpu.memory_space<vmem>> -> memref<48x896xf32, #tpu.memory_space<vmem>>
      %dma_wait3A_394 = arith.constant 0 : i32
      %dma_wait3A_395 = arith.constant 0 : i32
      %dma_wait3A_396 = tpu.memref_slice %arg4[%add3A_387, %dma_wait3A_394, %dma_wait3A_395] : memref<1024x50x1000xf32, #tpu.memory_space<hbm>> -> memref<1x48x896xf32, #tpu.memory_space<hbm>>
      %dma_wait3A_397 = tpu.memref_squeeze %dma_wait3A_396 : memref<1x48x896xf32, #tpu.memory_space<hbm>> -> memref<48x896xf32, #tpu.memory_space<hbm>>
      %dma_wait3A_398 = tpu.memref_slice %arg9[%dma_wait3A_389] : memref<2x!tpu.dma_semaphore, #tpu.memory_space<semaphore_mem>> -> memref<1x!tpu.dma_semaphore, #tpu.memory_space<semaphore_mem>>
      %dma_wait3A_399 = tpu.memref_squeeze %dma_wait3A_398 : memref<1x!tpu.dma_semaphore, #tpu.memory_space<semaphore_mem>> -> memref<!tpu.dma_semaphore, #tpu.memory_space<semaphore_mem>>
      %dma_wait3A_400 = arith.constant 0 : i32
      %dma_wait3A_401 = arith.constant 0 : i32
      %dma_wait3A_402 = tpu.memref_slice %arg4[%add3A_387, %dma_wait3A_400, %dma_wait3A_401] : memref<1024x50x1000xf32, #tpu.memory_space<hbm>> -> memref<1x48x896xf32, #tpu.memory_space<hbm>>
      %dma_wait3A_403 = tpu.memref_squeeze %dma_wait3A_402 : memref<1x48x896xf32, #tpu.memory_space<hbm>> -> memref<48x896xf32, #tpu.memory_space<hbm>>
      %dma_wait3A_404 = arith.constant 0 : i32
      %dma_wait3A_405 = arith.constant 0 : i32
      %dma_wait3A_406 = tpu.memref_slice %arg6[%dma_wait3A_388, %dma_wait3A_404, %dma_wait3A_405] : memref<2x48x1024xf32, #tpu.memory_space<vmem>> -> memref<1x48x896xf32, #tpu.memory_space<vmem>>
      %dma_wait3A_407 = tpu.memref_squeeze %dma_wait3A_406 : memref<1x48x896xf32, #tpu.memory_space<vmem>> -> memref<48x896xf32, #tpu.memory_space<vmem>>
      tpu.wait_dma2 semaphore(%dma_wait3A_399 : memref<!tpu.dma_semaphore, #tpu.memory_space<semaphore_mem>>) src(%dma_wait3A_407 : memref<48x896xf32, #tpu.memory_space<vmem>>) dst(%dma_wait3A_403 : memref<48x896xf32, #tpu.memory_space<hbm>>)
      %add3A_408 = arith.addi %mul3A_2, %add3A_386 : i32
      %dma_wait3A_409 = arith.constant 0 : i32
      %dma_wait3A_410 = arith.constant 0 : i32
      %dma_wait3A_411 = arith.constant 0 : i32
      %dma_wait3A_412 = arith.constant 0 : i32
      %dma_wait3A_413 = tpu.memref_slice %arg7[%dma_wait3A_409, %dma_wait3A_411, %dma_wait3A_412] : memref<2x48x104xf32, #tpu.memory_space<vmem>> -> memref<1x48x104xf32, #tpu.memory_space<vmem>>
      %dma_wait3A_414 = tpu.memref_squeeze %dma_wait3A_413 : memref<1x48x104xf32, #tpu.memory_space<vmem>> -> memref<48x104xf32, #tpu.memory_space<vmem>>
      %dma_wait3A_415 = arith.constant 0 : i32
      %dma_wait3A_416 = arith.constant 896 : i32
      %dma_wait3A_417 = tpu.memref_slice %arg4[%add3A_408, %dma_wait3A_415, %dma_wait3A_416] : memref<1024x50x1000xf32, #tpu.memory_space<hbm>> -> memref<1x48x104xf32, #tpu.memory_space<hbm>>
      %dma_wait3A_418 = tpu.memref_squeeze %dma_wait3A_417 : memref<1x48x104xf32, #tpu.memory_space<hbm>> -> memref<48x104xf32, #tpu.memory_space<hbm>>
      %dma_wait3A_419 = tpu.memref_slice %arg9[%dma_wait3A_410] : memref<2x!tpu.dma_semaphore, #tpu.memory_space<semaphore_mem>> -> memref<1x!tpu.dma_semaphore, #tpu.memory_space<semaphore_mem>>
      %dma_wait3A_420 = tpu.memref_squeeze %dma_wait3A_419 : memref<1x!tpu.dma_semaphore, #tpu.memory_space<semaphore_mem>> -> memref<!tpu.dma_semaphore, #tpu.memory_space<semaphore_mem>>
      %dma_wait3A_421 = arith.constant 0 : i32
      %dma_wait3A_422 = arith.constant 896 : i32
      %dma_wait3A_423 = tpu.memref_slice %arg4[%add3A_408, %dma_wait3A_421, %dma_wait3A_422] : memref<1024x50x1000xf32, #tpu.memory_space<hbm>> -> memref<1x48x104xf32, #tpu.memory_space<hbm>>
      %dma_wait3A_424 = tpu.memref_squeeze %dma_wait3A_423 : memref<1x48x104xf32, #tpu.memory_space<hbm>> -> memref<48x104xf32, #tpu.memory_space<hbm>>
      %dma_wait3A_425 = arith.constant 0 : i32
      %dma_wait3A_426 = arith.constant 0 : i32
      %dma_wait3A_427 = tpu.memref_slice %arg7[%dma_wait3A_409, %dma_wait3A_425, %dma_wait3A_426] : memref<2x48x104xf32, #tpu.memory_space<vmem>> -> memref<1x48x104xf32, #tpu.memory_space<vmem>>
      %dma_wait3A_428 = tpu.memref_squeeze %dma_wait3A_427 : memref<1x48x104xf32, #tpu.memory_space<vmem>> -> memref<48x104xf32, #tpu.memory_space<vmem>>
      tpu.wait_dma2 semaphore(%dma_wait3A_420 : memref<!tpu.dma_semaphore, #tpu.memory_space<semaphore_mem>>) src(%dma_wait3A_428 : memref<48x104xf32, #tpu.memory_space<vmem>>) dst(%dma_wait3A_424 : memref<48x104xf32, #tpu.memory_space<hbm>>)
      %add3A_429 = arith.constant 2 : i32
      %add3A_430 = arith.addi %add3A_252, %add3A_429 : i32
      %add3A_431 = arith.constant 0 : i32
      %add3A_432 = arith.addi %add3A_430, %add3A_431 : i32
      %mul3A_433 = arith.constant 56 : i32
      %mul3A_434 = arith.muli %add3A_432, %mul3A_433 : i32
      %multiple_of3A_435 = tpu.assume_multiple %mul3A_434, 8 : i32
      %dma_start3A_436 = arith.constant 0 : i32
      %dma_start3A_437 = arith.constant 0 : i32
      %dma_start3A_438 = arith.constant 0 : i32
      %dma_start3A_439 = arith.constant 0 : i32
      %dma_start3A_440 = tpu.memref_slice %arg6[%dma_start3A_436, %dma_start3A_438, %dma_start3A_439] : memref<2x48x1024xf32, #tpu.memory_space<vmem>> -> memref<1x48x1024xf32, #tpu.memory_space<vmem>>
      %dma_start3A_441 = tpu.memref_squeeze %dma_start3A_440 : memref<1x48x1024xf32, #tpu.memory_space<vmem>> -> memref<48x1024xf32, #tpu.memory_space<vmem>>
      %dma_start3A_442 = tpu.memref_slice %arg5[%multiple_of3A_435] : memref<1792xi32, #tpu.memory_space<vmem>> -> memref<48xi32, #tpu.memory_space<vmem>>
      %dma_start3A_443 = arith.constant 0 : i32
      %dma_start3A_444 = arith.constant 0 : i32
      %dma_start3A_445 = tpu.memref_slice %arg2[%dma_start3A_443, %dma_start3A_444] : memref<1000x1024xf32, #tpu.memory_space<hbm>> -> memref<1000x1024xf32, #tpu.memory_space<hbm>>
      %dma_start3A_446 = tpu.memref_slice %arg8[%dma_start3A_437] : memref<2x!tpu.dma_semaphore, #tpu.memory_space<semaphore_mem>> -> memref<1x!tpu.dma_semaphore, #tpu.memory_space<semaphore_mem>>
      %dma_start3A_447 = tpu.memref_squeeze %dma_start3A_446 : memref<1x!tpu.dma_semaphore, #tpu.memory_space<semaphore_mem>> -> memref<!tpu.dma_semaphore, #tpu.memory_space<semaphore_mem>>
      tpu.enqueue_indirect_dma source(%dma_start3A_445 : memref<1000x1024xf32, #tpu.memory_space<hbm>>) target(%dma_start3A_441 : memref<48x1024xf32, #tpu.memory_space<vmem>>) offsets(%dma_start3A_442 : memref<48xi32, #tpu.memory_space<vmem>>) semaphore(%dma_start3A_447 : memref<!tpu.dma_semaphore, #tpu.memory_space<semaphore_mem>>)
      %add3A_448 = arith.constant 1 : i32
      %add3A_449 = arith.addi %add3A_252, %add3A_448 : i32
      %add3A_450 = arith.addi %mul3A_2, %add3A_449 : i32
      %dma_wait3A_451 = arith.constant 1 : i32
      %dma_wait3A_452 = arith.constant 1 : i32
      %dma_wait3A_453 = arith.constant 0 : i32
      %dma_wait3A_454 = arith.constant 0 : i32
      %dma_wait3A_455 = tpu.memref_slice %arg6[%dma_wait3A_451, %dma_wait3A_453, %dma_wait3A_454] : memref<2x48x1024xf32, #tpu.memory_space<vmem>> -> memref<1x48x896xf32, #tpu.memory_space<vmem>>
      %dma_wait3A_456 = tpu.memref_squeeze %dma_wait3A_455 : memref<1x48x896xf32, #tpu.memory_space<vmem>> -> memref<48x896xf32, #tpu.memory_space<vmem>>
      %dma_wait3A_457 = arith.constant 0 : i32
      %dma_wait3A_458 = arith.constant 0 : i32
      %dma_wait3A_459 = tpu.memref_slice %arg4[%add3A_450, %dma_wait3A_457, %dma_wait3A_458] : memref<1024x50x1000xf32, #tpu.memory_space<hbm>> -> memref<1x48x896xf32, #tpu.memory_space<hbm>>
      %dma_wait3A_460 = tpu.memref_squeeze %dma_wait3A_459 : memref<1x48x896xf32, #tpu.memory_space<hbm>> -> memref<48x896xf32, #tpu.memory_space<hbm>>
      %dma_wait3A_461 = tpu.memref_slice %arg9[%dma_wait3A_452] : memref<2x!tpu.dma_semaphore, #tpu.memory_space<semaphore_mem>> -> memref<1x!tpu.dma_semaphore, #tpu.memory_space<semaphore_mem>>
      %dma_wait3A_462 = tpu.memref_squeeze %dma_wait3A_461 : memref<1x!tpu.dma_semaphore, #tpu.memory_space<semaphore_mem>> -> memref<!tpu.dma_semaphore, #tpu.memory_space<semaphore_mem>>
      %dma_wait3A_463 = arith.constant 0 : i32
      %dma_wait3A_464 = arith.constant 0 : i32
      %dma_wait3A_465 = tpu.memref_slice %arg4[%add3A_450, %dma_wait3A_463, %dma_wait3A_464] : memref<1024x50x1000xf32, #tpu.memory_space<hbm>> -> memref<1x48x896xf32, #tpu.memory_space<hbm>>
      %dma_wait3A_466 = tpu.memref_squeeze %dma_wait3A_465 : memref<1x48x896xf32, #tpu.memory_space<hbm>> -> memref<48x896xf32, #tpu.memory_space<hbm>>
      %dma_wait3A_467 = arith.constant 0 : i32
      %dma_wait3A_468 = arith.constant 0 : i32
      %dma_wait3A_469 = tpu.memref_slice %arg6[%dma_wait3A_451, %dma_wait3A_467, %dma_wait3A_468] : memref<2x48x1024xf32, #tpu.memory_space<vmem>> -> memref<1x48x896xf32, #tpu.memory_space<vmem>>
      %dma_wait3A_470 = tpu.memref_squeeze %dma_wait3A_469 : memref<1x48x896xf32, #tpu.memory_space<vmem>> -> memref<48x896xf32, #tpu.memory_space<vmem>>
      tpu.wait_dma2 semaphore(%dma_wait3A_462 : memref<!tpu.dma_semaphore, #tpu.memory_space<semaphore_mem>>) src(%dma_wait3A_470 : memref<48x896xf32, #tpu.memory_space<vmem>>) dst(%dma_wait3A_466 : memref<48x896xf32, #tpu.memory_space<hbm>>)
      %add3A_471 = arith.addi %mul3A_2, %add3A_449 : i32
      %dma_wait3A_472 = arith.constant 1 : i32
      %dma_wait3A_473 = arith.constant 1 : i32
      %dma_wait3A_474 = arith.constant 0 : i32
      %dma_wait3A_475 = arith.constant 0 : i32
      %dma_wait3A_476 = tpu.memref_slice %arg7[%dma_wait3A_472, %dma_wait3A_474, %dma_wait3A_475] : memref<2x48x104xf32, #tpu.memory_space<vmem>> -> memref<1x48x104xf32, #tpu.memory_space<vmem>>
      %dma_wait3A_477 = tpu.memref_squeeze %dma_wait3A_476 : memref<1x48x104xf32, #tpu.memory_space<vmem>> -> memref<48x104xf32, #tpu.memory_space<vmem>>
      %dma_wait3A_478 = arith.constant 0 : i32
      %dma_wait3A_479 = arith.constant 896 : i32
      %dma_wait3A_480 = tpu.memref_slice %arg4[%add3A_471, %dma_wait3A_478, %dma_wait3A_479] : memref<1024x50x1000xf32, #tpu.memory_space<hbm>> -> memref<1x48x104xf32, #tpu.memory_space<hbm>>
      %dma_wait3A_481 = tpu.memref_squeeze %dma_wait3A_480 : memref<1x48x104xf32, #tpu.memory_space<hbm>> -> memref<48x104xf32, #tpu.memory_space<hbm>>
      %dma_wait3A_482 = tpu.memref_slice %arg9[%dma_wait3A_473] : memref<2x!tpu.dma_semaphore, #tpu.memory_space<semaphore_mem>> -> memref<1x!tpu.dma_semaphore, #tpu.memory_space<semaphore_mem>>
      %dma_wait3A_483 = tpu.memref_squeeze %dma_wait3A_482 : memref<1x!tpu.dma_semaphore, #tpu.memory_space<semaphore_mem>> -> memref<!tpu.dma_semaphore, #tpu.memory_space<semaphore_mem>>
      %dma_wait3A_484 = arith.constant 0 : i32
      %dma_wait3A_485 = arith.constant 896 : i32
      %dma_wait3A_486 = tpu.memref_slice %arg4[%add3A_471, %dma_wait3A_484, %dma_wait3A_485] : memref<1024x50x1000xf32, #tpu.memory_space<hbm>> -> memref<1x48x104xf32, #tpu.memory_space<hbm>>
      %dma_wait3A_487 = tpu.memref_squeeze %dma_wait3A_486 : memref<1x48x104xf32, #tpu.memory_space<hbm>> -> memref<48x104xf32, #tpu.memory_space<hbm>>
      %dma_wait3A_488 = arith.constant 0 : i32
      %dma_wait3A_489 = arith.constant 0 : i32
      %dma_wait3A_490 = tpu.memref_slice %arg7[%dma_wait3A_472, %dma_wait3A_488, %dma_wait3A_489] : memref<2x48x104xf32, #tpu.memory_space<vmem>> -> memref<1x48x104xf32, #tpu.memory_space<vmem>>
      %dma_wait3A_491 = tpu.memref_squeeze %dma_wait3A_490 : memref<1x48x104xf32, #tpu.memory_space<vmem>> -> memref<48x104xf32, #tpu.memory_space<vmem>>
      tpu.wait_dma2 semaphore(%dma_wait3A_483 : memref<!tpu.dma_semaphore, #tpu.memory_space<semaphore_mem>>) src(%dma_wait3A_491 : memref<48x104xf32, #tpu.memory_space<vmem>>) dst(%dma_wait3A_487 : memref<48x104xf32, #tpu.memory_space<hbm>>)
      %add3A_492 = arith.constant 2 : i32
      %add3A_493 = arith.addi %add3A_252, %add3A_492 : i32
      %add3A_494 = arith.constant 1 : i32
      %add3A_495 = arith.addi %add3A_493, %add3A_494 : i32
      %mul3A_496 = arith.constant 56 : i32
      %mul3A_497 = arith.muli %add3A_495, %mul3A_496 : i32
      %multiple_of3A_498 = tpu.assume_multiple %mul3A_497, 8 : i32
      %dma_start3A_499 = arith.constant 1 : i32
      %dma_start3A_500 = arith.constant 1 : i32
      %dma_start3A_501 = arith.constant 0 : i32
      %dma_start3A_502 = arith.constant 0 : i32
      %dma_start3A_503 = tpu.memref_slice %arg6[%dma_start3A_499, %dma_start3A_501, %dma_start3A_502] : memref<2x48x1024xf32, #tpu.memory_space<vmem>> -> memref<1x48x1024xf32, #tpu.memory_space<vmem>>
      %dma_start3A_504 = tpu.memref_squeeze %dma_start3A_503 : memref<1x48x1024xf32, #tpu.memory_space<vmem>> -> memref<48x1024xf32, #tpu.memory_space<vmem>>
      %dma_start3A_505 = tpu.memref_slice %arg5[%multiple_of3A_498] : memref<1792xi32, #tpu.memory_space<vmem>> -> memref<48xi32, #tpu.memory_space<vmem>>
      %dma_start3A_506 = arith.constant 0 : i32
      %dma_start3A_507 = arith.constant 0 : i32
      %dma_start3A_508 = tpu.memref_slice %arg2[%dma_start3A_506, %dma_start3A_507] : memref<1000x1024xf32, #tpu.memory_space<hbm>> -> memref<1000x1024xf32, #tpu.memory_space<hbm>>
      %dma_start3A_509 = tpu.memref_slice %arg8[%dma_start3A_500] : memref<2x!tpu.dma_semaphore, #tpu.memory_space<semaphore_mem>> -> memref<1x!tpu.dma_semaphore, #tpu.memory_space<semaphore_mem>>
      %dma_start3A_510 = tpu.memref_squeeze %dma_start3A_509 : memref<1x!tpu.dma_semaphore, #tpu.memory_space<semaphore_mem>> -> memref<!tpu.dma_semaphore, #tpu.memory_space<semaphore_mem>>
      tpu.enqueue_indirect_dma source(%dma_start3A_508 : memref<1000x1024xf32, #tpu.memory_space<hbm>>) target(%dma_start3A_504 : memref<48x1024xf32, #tpu.memory_space<vmem>>) offsets(%dma_start3A_505 : memref<48xi32, #tpu.memory_space<vmem>>) semaphore(%dma_start3A_510 : memref<!tpu.dma_semaphore, #tpu.memory_space<semaphore_mem>>)
    }
    %scan3A_34 = arith.constant 15 : i32
    %multiple_of3A_35 = arith.constant 1680 : i32
    %multiple_of3A_36 = tpu.assume_multiple %multiple_of3A_35, 8 : i32
    %dma_wait3A = arith.constant 0 : i32
    %dma_wait3A_37 = arith.constant 0 : i32
    %dma_wait3A_38 = arith.constant 0 : i32
    %dma_wait3A_39 = arith.constant 0 : i32
    %dma_wait3A_40 = tpu.memref_slice %arg6[%dma_wait3A, %dma_wait3A_38, %dma_wait3A_39] : memref<2x48x1024xf32, #tpu.memory_space<vmem>> -> memref<1x48x1024xf32, #tpu.memory_space<vmem>>
    %dma_wait3A_41 = tpu.memref_squeeze %dma_wait3A_40 : memref<1x48x1024xf32, #tpu.memory_space<vmem>> -> memref<48x1024xf32, #tpu.memory_space<vmem>>
    %dma_wait3A_42 = tpu.memref_slice %arg5[%multiple_of3A_36] : memref<1792xi32, #tpu.memory_space<vmem>> -> memref<48xi32, #tpu.memory_space<vmem>>
    %dma_wait3A_43 = arith.constant 0 : i32
    %dma_wait3A_44 = arith.constant 0 : i32
    %dma_wait3A_45 = tpu.memref_slice %arg2[%dma_wait3A_43, %dma_wait3A_44] : memref<1000x1024xf32, #tpu.memory_space<hbm>> -> memref<1000x1024xf32, #tpu.memory_space<hbm>>
    %dma_wait3A_46 = tpu.memref_slice %arg8[%dma_wait3A_37] : memref<2x!tpu.dma_semaphore, #tpu.memory_space<semaphore_mem>> -> memref<1x!tpu.dma_semaphore, #tpu.memory_space<semaphore_mem>>
    %dma_wait3A_47 = tpu.memref_squeeze %dma_wait3A_46 : memref<1x!tpu.dma_semaphore, #tpu.memory_space<semaphore_mem>> -> memref<!tpu.dma_semaphore, #tpu.memory_space<semaphore_mem>>
    tpu.wait_indirect_dma semaphore(%dma_wait3A_47 : memref<!tpu.dma_semaphore, #tpu.memory_space<semaphore_mem>>) src(%dma_wait3A_45 : memref<1000x1024xf32, #tpu.memory_space<hbm>>) dst(%dma_wait3A_41 : memref<48x1024xf32, #tpu.memory_space<vmem>>)
    %scan3A_48 = arith.constant 0 : i32
    %scan3A_49 = arith.constant 48 : i32
    %scan3A_50 = arith.addi %scan3A_48, %scan3A_49 : i32
    %scan3A_51 = arith.constant 1 : i32
    scf.for %scan3A_248 = %scan3A_48 to %scan3A_50 step %scan3A_51  : i32 {
      %mul3A_249 = arith.constant 1 : i32
      %mul3A_250 = arith.muli %scan3A_248, %mul3A_249 : i32
      %add3A_251 = arith.constant 0 : i32
      %add3A_252 = arith.addi %add3A_251, %mul3A_250 : i32
      %get3A = arith.constant 0 : i32
      %get3A_253 = arith.index_cast %get3A : i32 to index
      %get3A_254 = arith.index_cast %add3A_252 : i32 to index
      %get3A_255 = arith.constant 896 : index
      %get3A_256 = tpu.vector_load %arg6[%get3A_253, %get3A_254, %get3A_255] {strides = array<i32>} : memref<2x48x1024xf32, #tpu.memory_space<vmem>>, vector<1x1x16xf32>,
      %get3A_257 = vector.shape_cast %get3A_256 : vector<1x1x16xf32> to vector<16xf32>
      %swap3A = arith.constant 0 : i32
      %swap3A_258 = arith.index_cast %swap3A : i32 to index
      %swap3A_259 = arith.index_cast %add3A_252 : i32 to index
      %swap3A_260 = arith.constant 0 : index
      %swap3A_261 = tpu.vector_load %arg7[%swap3A_258, %swap3A_259, %swap3A_260] {strides = array<i32>} : memref<2x48x104xf32, #tpu.memory_space<vmem>>, vector<1x1x16xf32>,
      %swap3A_262 = vector.shape_cast %swap3A_261 : vector<1x1x16xf32> to vector<16xf32>
      %swap3A_263 = vector.shape_cast %get3A_257 : vector<16xf32> to vector<1x1x16xf32>
      tpu.vector_store %arg7[%swap3A_258, %swap3A_259, %swap3A_260], %swap3A_263 {strides = array<i32>} : memref<2x48x104xf32, #tpu.memory_space<vmem>>, vector<1x1x16xf32>,
      %get3A_264 = arith.constant 0 : i32
      %get3A_265 = arith.index_cast %get3A_264 : i32 to index
      %get3A_266 = arith.index_cast %add3A_252 : i32 to index
      %get3A_267 = arith.constant 912 : index
      %get3A_268 = tpu.vector_load %arg6[%get3A_265, %get3A_266, %get3A_267] {strides = array<i32>} : memref<2x48x1024xf32, #tpu.memory_space<vmem>>, vector<1x1x16xf32>,
      %get3A_269 = vector.shape_cast %get3A_268 : vector<1x1x16xf32> to vector<16xf32>
      %swap3A_270 = arith.constant 0 : i32
      %swap3A_271 = arith.index_cast %swap3A_270 : i32 to index
      %swap3A_272 = arith.index_cast %add3A_252 : i32 to index
      %swap3A_273 = arith.constant 16 : index
      %swap3A_274 = tpu.vector_load %arg7[%swap3A_271, %swap3A_272, %swap3A_273] {strides = array<i32>} : memref<2x48x104xf32, #tpu.memory_space<vmem>>, vector<1x1x16xf32>,
      %swap3A_275 = vector.shape_cast %swap3A_274 : vector<1x1x16xf32> to vector<16xf32>
      %swap3A_276 = vector.shape_cast %get3A_269 : vector<16xf32> to vector<1x1x16xf32>
      tpu.vector_store %arg7[%swap3A_271, %swap3A_272, %swap3A_273], %swap3A_276 {strides = array<i32>} : memref<2x48x104xf32, #tpu.memory_space<vmem>>, vector<1x1x16xf32>,
      %get3A_277 = arith.constant 0 : i32
      %get3A_278 = arith.index_cast %get3A_277 : i32 to index
      %get3A_279 = arith.index_cast %add3A_252 : i32 to index
      %get3A_280 = arith.constant 928 : index
      %get3A_281 = tpu.vector_load %arg6[%get3A_278, %get3A_279, %get3A_280] {strides = array<i32>} : memref<2x48x1024xf32, #tpu.memory_space<vmem>>, vector<1x1x16xf32>,
      %get3A_282 = vector.shape_cast %get3A_281 : vector<1x1x16xf32> to vector<16xf32>
      %swap3A_283 = arith.constant 0 : i32
      %swap3A_284 = arith.index_cast %swap3A_283 : i32 to index
      %swap3A_285 = arith.index_cast %add3A_252 : i32 to index
      %swap3A_286 = arith.constant 32 : index
      %swap3A_287 = tpu.vector_load %arg7[%swap3A_284, %swap3A_285, %swap3A_286] {strides = array<i32>} : memref<2x48x104xf32, #tpu.memory_space<vmem>>, vector<1x1x16xf32>,
      %swap3A_288 = vector.shape_cast %swap3A_287 : vector<1x1x16xf32> to vector<16xf32>
      %swap3A_289 = vector.shape_cast %get3A_282 : vector<16xf32> to vector<1x1x16xf32>
      tpu.vector_store %arg7[%swap3A_284, %swap3A_285, %swap3A_286], %swap3A_289 {strides = array<i32>} : memref<2x48x104xf32, #tpu.memory_space<vmem>>, vector<1x1x16xf32>,
      %get3A_290 = arith.constant 0 : i32
      %get3A_291 = arith.index_cast %get3A_290 : i32 to index
      %get3A_292 = arith.index_cast %add3A_252 : i32 to index
      %get3A_293 = arith.constant 944 : index
      %get3A_294 = tpu.vector_load %arg6[%get3A_291, %get3A_292, %get3A_293] {strides = array<i32>} : memref<2x48x1024xf32, #tpu.memory_space<vmem>>, vector<1x1x16xf32>,
      %get3A_295 = vector.shape_cast %get3A_294 : vector<1x1x16xf32> to vector<16xf32>
      %swap3A_296 = arith.constant 0 : i32
      %swap3A_297 = arith.index_cast %swap3A_296 : i32 to index
      %swap3A_298 = arith.index_cast %add3A_252 : i32 to index
      %swap3A_299 = arith.constant 48 : index
      %swap3A_300 = tpu.vector_load %arg7[%swap3A_297, %swap3A_298, %swap3A_299] {strides = array<i32>} : memref<2x48x104xf32, #tpu.memory_space<vmem>>, vector<1x1x16xf32>,
      %swap3A_301 = vector.shape_cast %swap3A_300 : vector<1x1x16xf32> to vector<16xf32>
      %swap3A_302 = vector.shape_cast %get3A_295 : vector<16xf32> to vector<1x1x16xf32>
      tpu.vector_store %arg7[%swap3A_297, %swap3A_298, %swap3A_299], %swap3A_302 {strides = array<i32>} : memref<2x48x104xf32, #tpu.memory_space<vmem>>, vector<1x1x16xf32>,
      %get3A_303 = arith.constant 0 : i32
      %get3A_304 = arith.index_cast %get3A_303 : i32 to index
      %get3A_305 = arith.index_cast %add3A_252 : i32 to index
      %get3A_306 = arith.constant 960 : index
      %get3A_307 = tpu.vector_load %arg6[%get3A_304, %get3A_305, %get3A_306] {strides = array<i32>} : memref<2x48x1024xf32, #tpu.memory_space<vmem>>, vector<1x1x16xf32>,
      %get3A_308 = vector.shape_cast %get3A_307 : vector<1x1x16xf32> to vector<16xf32>
      %swap3A_309 = arith.constant 0 : i32
      %swap3A_310 = arith.index_cast %swap3A_309 : i32 to index
      %swap3A_311 = arith.index_cast %add3A_252 : i32 to index
      %swap3A_312 = arith.constant 64 : index
      %swap3A_313 = tpu.vector_load %arg7[%swap3A_310, %swap3A_311, %swap3A_312] {strides = array<i32>} : memref<2x48x104xf32, #tpu.memory_space<vmem>>, vector<1x1x16xf32>,
      %swap3A_314 = vector.shape_cast %swap3A_313 : vector<1x1x16xf32> to vector<16xf32>
      %swap3A_315 = vector.shape_cast %get3A_308 : vector<16xf32> to vector<1x1x16xf32>
      tpu.vector_store %arg7[%swap3A_310, %swap3A_311, %swap3A_312], %swap3A_315 {strides = array<i32>} : memref<2x48x104xf32, #tpu.memory_space<vmem>>, vector<1x1x16xf32>,
      %get3A_316 = arith.constant 0 : i32
      %get3A_317 = arith.index_cast %get3A_316 : i32 to index
      %get3A_318 = arith.index_cast %add3A_252 : i32 to index
      %get3A_319 = arith.constant 976 : index
      %get3A_320 = tpu.vector_load %arg6[%get3A_317, %get3A_318, %get3A_319] {strides = array<i32>} : memref<2x48x1024xf32, #tpu.memory_space<vmem>>, vector<1x1x16xf32>,
      %get3A_321 = vector.shape_cast %get3A_320 : vector<1x1x16xf32> to vector<16xf32>
      %swap3A_322 = arith.constant 0 : i32
      %swap3A_323 = arith.index_cast %swap3A_322 : i32 to index
      %swap3A_324 = arith.index_cast %add3A_252 : i32 to index
      %swap3A_325 = arith.constant 80 : index
      %swap3A_326 = tpu.vector_load %arg7[%swap3A_323, %swap3A_324, %swap3A_325] {strides = array<i32>} : memref<2x48x104xf32, #tpu.memory_space<vmem>>, vector<1x1x16xf32>,
      %swap3A_327 = vector.shape_cast %swap3A_326 : vector<1x1x16xf32> to vector<16xf32>
      %swap3A_328 = vector.shape_cast %get3A_321 : vector<16xf32> to vector<1x1x16xf32>
      tpu.vector_store %arg7[%swap3A_323, %swap3A_324, %swap3A_325], %swap3A_328 {strides = array<i32>} : memref<2x48x104xf32, #tpu.memory_space<vmem>>, vector<1x1x16xf32>,
      %get3A_329 = arith.constant 0 : i32
      %get3A_330 = arith.index_cast %get3A_329 : i32 to index
      %get3A_331 = arith.index_cast %add3A_252 : i32 to index
      %get3A_332 = arith.constant 984 : index
      %get3A_333 = tpu.vector_load %arg6[%get3A_330, %get3A_331, %get3A_332] {strides = array<i32>} : memref<2x48x1024xf32, #tpu.memory_space<vmem>>, vector<1x1x16xf32>,
      %get3A_334 = vector.shape_cast %get3A_333 : vector<1x1x16xf32> to vector<16xf32>
      %swap3A_335 = arith.constant 0 : i32
      %swap3A_336 = arith.index_cast %swap3A_335 : i32 to index
      %swap3A_337 = arith.index_cast %add3A_252 : i32 to index
      %swap3A_338 = arith.constant 88 : index
      %swap3A_339 = tpu.vector_load %arg7[%swap3A_336, %swap3A_337, %swap3A_338] {strides = array<i32>} : memref<2x48x104xf32, #tpu.memory_space<vmem>>, vector<1x1x16xf32>,
      %swap3A_340 = vector.shape_cast %swap3A_339 : vector<1x1x16xf32> to vector<16xf32>
      %swap3A_341 = vector.shape_cast %get3A_334 : vector<16xf32> to vector<1x1x16xf32>
      tpu.vector_store %arg7[%swap3A_336, %swap3A_337, %swap3A_338], %swap3A_341 {strides = array<i32>} : memref<2x48x104xf32, #tpu.memory_space<vmem>>, vector<1x1x16xf32>,
    }
    %scan3A_52 = arith.constant 48 : i32
    %add3A_53 = arith.constant 30 : i32
    %add3A_54 = arith.addi %mul3A_2, %add3A_53 : i32
    %dma_start3A_55 = arith.constant 0 : i32
    %dma_start3A_56 = arith.constant 0 : i32
    %dma_start3A_57 = arith.constant 0 : i32
    %dma_start3A_58 = arith.constant 0 : i32
    %dma_start3A_59 = tpu.memref_slice %arg6[%dma_start3A_55, %dma_start3A_57, %dma_start3A_58] : memref<2x48x1024xf32, #tpu.memory_space<vmem>> -> memref<1x48x896xf32, #tpu.memory_space<vmem>>
    %dma_start3A_60 = tpu.memref_squeeze %dma_start3A_59 : memref<1x48x896xf32, #tpu.memory_space<vmem>> -> memref<48x896xf32, #tpu.memory_space<vmem>>
    %dma_start3A_61 = arith.constant 0 : i32
    %dma_start3A_62 = arith.constant 0 : i32
    %dma_start3A_63 = tpu.memref_slice %arg4[%add3A_54, %dma_start3A_61, %dma_start3A_62] : memref<1024x50x1000xf32, #tpu.memory_space<hbm>> -> memref<1x48x896xf32, #tpu.memory_space<hbm>>
    %dma_start3A_64 = tpu.memref_squeeze %dma_start3A_63 : memref<1x48x896xf32, #tpu.memory_space<hbm>> -> memref<48x896xf32, #tpu.memory_space<hbm>>
    %dma_start3A_65 = tpu.memref_slice %arg9[%dma_start3A_56] : memref<2x!tpu.dma_semaphore, #tpu.memory_space<semaphore_mem>> -> memref<1x!tpu.dma_semaphore, #tpu.memory_space<semaphore_mem>>
    %dma_start3A_66 = tpu.memref_squeeze %dma_start3A_65 : memref<1x!tpu.dma_semaphore, #tpu.memory_space<semaphore_mem>> -> memref<!tpu.dma_semaphore, #tpu.memory_space<semaphore_mem>>
    %dma_start3A_67 = arith.constant 0 : i32
    %dma_start3A_68 = arith.constant 0 : i32
    %dma_start3A_69 = tpu.memref_slice %arg4[%add3A_54, %dma_start3A_67, %dma_start3A_68] : memref<1024x50x1000xf32, #tpu.memory_space<hbm>> -> memref<1x48x896xf32, #tpu.memory_space<hbm>>
    %dma_start3A_70 = tpu.memref_squeeze %dma_start3A_69 : memref<1x48x896xf32, #tpu.memory_space<hbm>> -> memref<48x896xf32, #tpu.memory_space<hbm>>
    %dma_start3A_71 = arith.constant 0 : i32
    %dma_start3A_72 = arith.constant 0 : i32
    %dma_start3A_73 = tpu.memref_slice %arg6[%dma_start3A_55, %dma_start3A_71, %dma_start3A_72] : memref<2x48x1024xf32, #tpu.memory_space<vmem>> -> memref<1x48x896xf32, #tpu.memory_space<vmem>>
    %dma_start3A_74 = tpu.memref_squeeze %dma_start3A_73 : memref<1x48x896xf32, #tpu.memory_space<vmem>> -> memref<48x896xf32, #tpu.memory_space<vmem>>
    tpu.enqueue_dma source(%dma_start3A_74 : memref<48x896xf32, #tpu.memory_space<vmem>>) target(%dma_start3A_70 : memref<48x896xf32, #tpu.memory_space<hbm>>) target_semaphore(%dma_start3A_66 : memref<!tpu.dma_semaphore, #tpu.memory_space<semaphore_mem>>)
    %add3A_75 = arith.constant 30 : i32
    %add3A_76 = arith.addi %mul3A_2, %add3A_75 : i32
    %dma_start3A_77 = arith.constant 0 : i32
    %dma_start3A_78 = arith.constant 0 : i32
    %dma_start3A_79 = arith.constant 0 : i32
    %dma_start3A_80 = arith.constant 0 : i32
    %dma_start3A_81 = tpu.memref_slice %arg7[%dma_start3A_77, %dma_start3A_79, %dma_start3A_80] : memref<2x48x104xf32, #tpu.memory_space<vmem>> -> memref<1x48x104xf32, #tpu.memory_space<vmem>>
    %dma_start3A_82 = tpu.memref_squeeze %dma_start3A_81 : memref<1x48x104xf32, #tpu.memory_space<vmem>> -> memref<48x104xf32, #tpu.memory_space<vmem>>
    %dma_start3A_83 = arith.constant 0 : i32
    %dma_start3A_84 = arith.constant 896 : i32
    %dma_start3A_85 = tpu.memref_slice %arg4[%add3A_76, %dma_start3A_83, %dma_start3A_84] : memref<1024x50x1000xf32, #tpu.memory_space<hbm>> -> memref<1x48x104xf32, #tpu.memory_space<hbm>>
    %dma_start3A_86 = tpu.memref_squeeze %dma_start3A_85 : memref<1x48x104xf32, #tpu.memory_space<hbm>> -> memref<48x104xf32, #tpu.memory_space<hbm>>
    %dma_start3A_87 = tpu.memref_slice %arg9[%dma_start3A_78] : memref<2x!tpu.dma_semaphore, #tpu.memory_space<semaphore_mem>> -> memref<1x!tpu.dma_semaphore, #tpu.memory_space<semaphore_mem>>
    %dma_start3A_88 = tpu.memref_squeeze %dma_start3A_87 : memref<1x!tpu.dma_semaphore, #tpu.memory_space<semaphore_mem>> -> memref<!tpu.dma_semaphore, #tpu.memory_space<semaphore_mem>>
    %dma_start3A_89 = arith.constant 0 : i32
    %dma_start3A_90 = arith.constant 896 : i32
    %dma_start3A_91 = tpu.memref_slice %arg4[%add3A_76, %dma_start3A_89, %dma_start3A_90] : memref<1024x50x1000xf32, #tpu.memory_space<hbm>> -> memref<1x48x104xf32, #tpu.memory_space<hbm>>
    %dma_start3A_92 = tpu.memref_squeeze %dma_start3A_91 : memref<1x48x104xf32, #tpu.memory_space<hbm>> -> memref<48x104xf32, #tpu.memory_space<hbm>>
    %dma_start3A_93 = arith.constant 0 : i32
    %dma_start3A_94 = arith.constant 0 : i32
    %dma_start3A_95 = tpu.memref_slice %arg7[%dma_start3A_77, %dma_start3A_93, %dma_start3A_94] : memref<2x48x104xf32, #tpu.memory_space<vmem>> -> memref<1x48x104xf32, #tpu.memory_space<vmem>>
    %dma_start3A_96 = tpu.memref_squeeze %dma_start3A_95 : memref<1x48x104xf32, #tpu.memory_space<vmem>> -> memref<48x104xf32, #tpu.memory_space<vmem>>
    tpu.enqueue_dma source(%dma_start3A_96 : memref<48x104xf32, #tpu.memory_space<vmem>>) target(%dma_start3A_92 : memref<48x104xf32, #tpu.memory_space<hbm>>) target_semaphore(%dma_start3A_88 : memref<!tpu.dma_semaphore, #tpu.memory_space<semaphore_mem>>)
    %multiple_of3A_97 = arith.constant 1736 : i32
    %multiple_of3A_98 = tpu.assume_multiple %multiple_of3A_97, 8 : i32
    %dma_wait3A_99 = arith.constant 1 : i32
    %dma_wait3A_100 = arith.constant 1 : i32
    %dma_wait3A_101 = arith.constant 0 : i32
    %dma_wait3A_102 = arith.constant 0 : i32
    %dma_wait3A_103 = tpu.memref_slice %arg6[%dma_wait3A_99, %dma_wait3A_101, %dma_wait3A_102] : memref<2x48x1024xf32, #tpu.memory_space<vmem>> -> memref<1x48x1024xf32, #tpu.memory_space<vmem>>
    %dma_wait3A_104 = tpu.memref_squeeze %dma_wait3A_103 : memref<1x48x1024xf32, #tpu.memory_space<vmem>> -> memref<48x1024xf32, #tpu.memory_space<vmem>>
    %dma_wait3A_105 = tpu.memref_slice %arg5[%multiple_of3A_98] : memref<1792xi32, #tpu.memory_space<vmem>> -> memref<48xi32, #tpu.memory_space<vmem>>
    %dma_wait3A_106 = arith.constant 0 : i32
    %dma_wait3A_107 = arith.constant 0 : i32
    %dma_wait3A_108 = tpu.memref_slice %arg2[%dma_wait3A_106, %dma_wait3A_107] : memref<1000x1024xf32, #tpu.memory_space<hbm>> -> memref<1000x1024xf32, #tpu.memory_space<hbm>>
    %dma_wait3A_109 = tpu.memref_slice %arg8[%dma_wait3A_100] : memref<2x!tpu.dma_semaphore, #tpu.memory_space<semaphore_mem>> -> memref<1x!tpu.dma_semaphore, #tpu.memory_space<semaphore_mem>>
    %dma_wait3A_110 = tpu.memref_squeeze %dma_wait3A_109 : memref<1x!tpu.dma_semaphore, #tpu.memory_space<semaphore_mem>> -> memref<!tpu.dma_semaphore, #tpu.memory_space<semaphore_mem>>
    tpu.wait_indirect_dma semaphore(%dma_wait3A_110 : memref<!tpu.dma_semaphore, #tpu.memory_space<semaphore_mem>>) src(%dma_wait3A_108 : memref<1000x1024xf32, #tpu.memory_space<hbm>>) dst(%dma_wait3A_104 : memref<48x1024xf32, #tpu.memory_space<vmem>>)
    %scan3A_111 = arith.constant 0 : i32
    %scan3A_112 = arith.constant 48 : i32
    %scan3A_113 = arith.addi %scan3A_111, %scan3A_112 : i32
    %scan3A_114 = arith.constant 1 : i32
    scf.for %scan3A_248 = %scan3A_111 to %scan3A_113 step %scan3A_114  : i32 {
      %mul3A_249 = arith.constant 1 : i32
      %mul3A_250 = arith.muli %scan3A_248, %mul3A_249 : i32
      %add3A_251 = arith.constant 0 : i32
      %add3A_252 = arith.addi %add3A_251, %mul3A_250 : i32
      %get3A = arith.constant 1 : i32
      %get3A_253 = arith.index_cast %get3A : i32 to index
      %get3A_254 = arith.index_cast %add3A_252 : i32 to index
      %get3A_255 = arith.constant 896 : index
      %get3A_256 = tpu.vector_load %arg6[%get3A_253, %get3A_254, %get3A_255] {strides = array<i32>} : memref<2x48x1024xf32, #tpu.memory_space<vmem>>, vector<1x1x16xf32>,
      %get3A_257 = vector.shape_cast %get3A_256 : vector<1x1x16xf32> to vector<16xf32>
      %swap3A = arith.constant 1 : i32
      %swap3A_258 = arith.index_cast %swap3A : i32 to index
      %swap3A_259 = arith.index_cast %add3A_252 : i32 to index
      %swap3A_260 = arith.constant 0 : index
      %swap3A_261 = tpu.vector_load %arg7[%swap3A_258, %swap3A_259, %swap3A_260] {strides = array<i32>} : memref<2x48x104xf32, #tpu.memory_space<vmem>>, vector<1x1x16xf32>,
      %swap3A_262 = vector.shape_cast %swap3A_261 : vector<1x1x16xf32> to vector<16xf32>
      %swap3A_263 = vector.shape_cast %get3A_257 : vector<16xf32> to vector<1x1x16xf32>
      tpu.vector_store %arg7[%swap3A_258, %swap3A_259, %swap3A_260], %swap3A_263 {strides = array<i32>} : memref<2x48x104xf32, #tpu.memory_space<vmem>>, vector<1x1x16xf32>,
      %get3A_264 = arith.constant 1 : i32
      %get3A_265 = arith.index_cast %get3A_264 : i32 to index
      %get3A_266 = arith.index_cast %add3A_252 : i32 to index
      %get3A_267 = arith.constant 912 : index
      %get3A_268 = tpu.vector_load %arg6[%get3A_265, %get3A_266, %get3A_267] {strides = array<i32>} : memref<2x48x1024xf32, #tpu.memory_space<vmem>>, vector<1x1x16xf32>,
      %get3A_269 = vector.shape_cast %get3A_268 : vector<1x1x16xf32> to vector<16xf32>
      %swap3A_270 = arith.constant 1 : i32
      %swap3A_271 = arith.index_cast %swap3A_270 : i32 to index
      %swap3A_272 = arith.index_cast %add3A_252 : i32 to index
      %swap3A_273 = arith.constant 16 : index
      %swap3A_274 = tpu.vector_load %arg7[%swap3A_271, %swap3A_272, %swap3A_273] {strides = array<i32>} : memref<2x48x104xf32, #tpu.memory_space<vmem>>, vector<1x1x16xf32>,
      %swap3A_275 = vector.shape_cast %swap3A_274 : vector<1x1x16xf32> to vector<16xf32>
      %swap3A_276 = vector.shape_cast %get3A_269 : vector<16xf32> to vector<1x1x16xf32>
      tpu.vector_store %arg7[%swap3A_271, %swap3A_272, %swap3A_273], %swap3A_276 {strides = array<i32>} : memref<2x48x104xf32, #tpu.memory_space<vmem>>, vector<1x1x16xf32>,
      %get3A_277 = arith.constant 1 : i32
      %get3A_278 = arith.index_cast %get3A_277 : i32 to index
      %get3A_279 = arith.index_cast %add3A_252 : i32 to index
      %get3A_280 = arith.constant 928 : index
      %get3A_281 = tpu.vector_load %arg6[%get3A_278, %get3A_279, %get3A_280] {strides = array<i32>} : memref<2x48x1024xf32, #tpu.memory_space<vmem>>, vector<1x1x16xf32>,
      %get3A_282 = vector.shape_cast %get3A_281 : vector<1x1x16xf32> to vector<16xf32>
      %swap3A_283 = arith.constant 1 : i32
      %swap3A_284 = arith.index_cast %swap3A_283 : i32 to index
      %swap3A_285 = arith.index_cast %add3A_252 : i32 to index
      %swap3A_286 = arith.constant 32 : index
      %swap3A_287 = tpu.vector_load %arg7[%swap3A_284, %swap3A_285, %swap3A_286] {strides = array<i32>} : memref<2x48x104xf32, #tpu.memory_space<vmem>>, vector<1x1x16xf32>,
      %swap3A_288 = vector.shape_cast %swap3A_287 : vector<1x1x16xf32> to vector<16xf32>
      %swap3A_289 = vector.shape_cast %get3A_282 : vector<16xf32> to vector<1x1x16xf32>
      tpu.vector_store %arg7[%swap3A_284, %swap3A_285, %swap3A_286], %swap3A_289 {strides = array<i32>} : memref<2x48x104xf32, #tpu.memory_space<vmem>>, vector<1x1x16xf32>,
      %get3A_290 = arith.constant 1 : i32
      %get3A_291 = arith.index_cast %get3A_290 : i32 to index
      %get3A_292 = arith.index_cast %add3A_252 : i32 to index
      %get3A_293 = arith.constant 944 : index
      %get3A_294 = tpu.vector_load %arg6[%get3A_291, %get3A_292, %get3A_293] {strides = array<i32>} : memref<2x48x1024xf32, #tpu.memory_space<vmem>>, vector<1x1x16xf32>,
      %get3A_295 = vector.shape_cast %get3A_294 : vector<1x1x16xf32> to vector<16xf32>
      %swap3A_296 = arith.constant 1 : i32
      %swap3A_297 = arith.index_cast %swap3A_296 : i32 to index
      %swap3A_298 = arith.index_cast %add3A_252 : i32 to index
      %swap3A_299 = arith.constant 48 : index
      %swap3A_300 = tpu.vector_load %arg7[%swap3A_297, %swap3A_298, %swap3A_299] {strides = array<i32>} : memref<2x48x104xf32, #tpu.memory_space<vmem>>, vector<1x1x16xf32>,
      %swap3A_301 = vector.shape_cast %swap3A_300 : vector<1x1x16xf32> to vector<16xf32>
      %swap3A_302 = vector.shape_cast %get3A_295 : vector<16xf32> to vector<1x1x16xf32>
      tpu.vector_store %arg7[%swap3A_297, %swap3A_298, %swap3A_299], %swap3A_302 {strides = array<i32>} : memref<2x48x104xf32, #tpu.memory_space<vmem>>, vector<1x1x16xf32>,
      %get3A_303 = arith.constant 1 : i32
      %get3A_304 = arith.index_cast %get3A_303 : i32 to index
      %get3A_305 = arith.index_cast %add3A_252 : i32 to index
      %get3A_306 = arith.constant 960 : index
      %get3A_307 = tpu.vector_load %arg6[%get3A_304, %get3A_305, %get3A_306] {strides = array<i32>} : memref<2x48x1024xf32, #tpu.memory_space<vmem>>, vector<1x1x16xf32>,
      %get3A_308 = vector.shape_cast %get3A_307 : vector<1x1x16xf32> to vector<16xf32>
      %swap3A_309 = arith.constant 1 : i32
      %swap3A_310 = arith.index_cast %swap3A_309 : i32 to index
      %swap3A_311 = arith.index_cast %add3A_252 : i32 to index
      %swap3A_312 = arith.constant 64 : index
      %swap3A_313 = tpu.vector_load %arg7[%swap3A_310, %swap3A_311, %swap3A_312] {strides = array<i32>} : memref<2x48x104xf32, #tpu.memory_space<vmem>>, vector<1x1x16xf32>,
      %swap3A_314 = vector.shape_cast %swap3A_313 : vector<1x1x16xf32> to vector<16xf32>
      %swap3A_315 = vector.shape_cast %get3A_308 : vector<16xf32> to vector<1x1x16xf32>
      tpu.vector_store %arg7[%swap3A_310, %swap3A_311, %swap3A_312], %swap3A_315 {strides = array<i32>} : memref<2x48x104xf32, #tpu.memory_space<vmem>>, vector<1x1x16xf32>,
      %get3A_316 = arith.constant 1 : i32
      %get3A_317 = arith.index_cast %get3A_316 : i32 to index
      %get3A_318 = arith.index_cast %add3A_252 : i32 to index
      %get3A_319 = arith.constant 976 : index
      %get3A_320 = tpu.vector_load %arg6[%get3A_317, %get3A_318, %get3A_319] {strides = array<i32>} : memref<2x48x1024xf32, #tpu.memory_space<vmem>>, vector<1x1x16xf32>,
      %get3A_321 = vector.shape_cast %get3A_320 : vector<1x1x16xf32> to vector<16xf32>
      %swap3A_322 = arith.constant 1 : i32
      %swap3A_323 = arith.index_cast %swap3A_322 : i32 to index
      %swap3A_324 = arith.index_cast %add3A_252 : i32 to index
      %swap3A_325 = arith.constant 80 : index
      %swap3A_326 = tpu.vector_load %arg7[%swap3A_323, %swap3A_324, %swap3A_325] {strides = array<i32>} : memref<2x48x104xf32, #tpu.memory_space<vmem>>, vector<1x1x16xf32>,
      %swap3A_327 = vector.shape_cast %swap3A_326 : vector<1x1x16xf32> to vector<16xf32>
      %swap3A_328 = vector.shape_cast %get3A_321 : vector<16xf32> to vector<1x1x16xf32>
      tpu.vector_store %arg7[%swap3A_323, %swap3A_324, %swap3A_325], %swap3A_328 {strides = array<i32>} : memref<2x48x104xf32, #tpu.memory_space<vmem>>, vector<1x1x16xf32>,
      %get3A_329 = arith.constant 1 : i32
      %get3A_330 = arith.index_cast %get3A_329 : i32 to index
      %get3A_331 = arith.index_cast %add3A_252 : i32 to index
      %get3A_332 = arith.constant 984 : index
      %get3A_333 = tpu.vector_load %arg6[%get3A_330, %get3A_331, %get3A_332] {strides = array<i32>} : memref<2x48x1024xf32, #tpu.memory_space<vmem>>, vector<1x1x16xf32>,
      %get3A_334 = vector.shape_cast %get3A_333 : vector<1x1x16xf32> to vector<16xf32>
      %swap3A_335 = arith.constant 1 : i32
      %swap3A_336 = arith.index_cast %swap3A_335 : i32 to index
      %swap3A_337 = arith.index_cast %add3A_252 : i32 to index
      %swap3A_338 = arith.constant 88 : index
      %swap3A_339 = tpu.vector_load %arg7[%swap3A_336, %swap3A_337, %swap3A_338] {strides = array<i32>} : memref<2x48x104xf32, #tpu.memory_space<vmem>>, vector<1x1x16xf32>,
      %swap3A_340 = vector.shape_cast %swap3A_339 : vector<1x1x16xf32> to vector<16xf32>
      %swap3A_341 = vector.shape_cast %get3A_334 : vector<16xf32> to vector<1x1x16xf32>
      tpu.vector_store %arg7[%swap3A_336, %swap3A_337, %swap3A_338], %swap3A_341 {strides = array<i32>} : memref<2x48x104xf32, #tpu.memory_space<vmem>>, vector<1x1x16xf32>,
    }
    %scan3A_115 = arith.constant 48 : i32
    %add3A_116 = arith.constant 31 : i32
    %add3A_117 = arith.addi %mul3A_2, %add3A_116 : i32
    %dma_start3A_118 = arith.constant 1 : i32
    %dma_start3A_119 = arith.constant 1 : i32
    %dma_start3A_120 = arith.constant 0 : i32
    %dma_start3A_121 = arith.constant 0 : i32
    %dma_start3A_122 = tpu.memref_slice %arg6[%dma_start3A_118, %dma_start3A_120, %dma_start3A_121] : memref<2x48x1024xf32, #tpu.memory_space<vmem>> -> memref<1x48x896xf32, #tpu.memory_space<vmem>>
    %dma_start3A_123 = tpu.memref_squeeze %dma_start3A_122 : memref<1x48x896xf32, #tpu.memory_space<vmem>> -> memref<48x896xf32, #tpu.memory_space<vmem>>
    %dma_start3A_124 = arith.constant 0 : i32
    %dma_start3A_125 = arith.constant 0 : i32
    %dma_start3A_126 = tpu.memref_slice %arg4[%add3A_117, %dma_start3A_124, %dma_start3A_125] : memref<1024x50x1000xf32, #tpu.memory_space<hbm>> -> memref<1x48x896xf32, #tpu.memory_space<hbm>>
    %dma_start3A_127 = tpu.memref_squeeze %dma_start3A_126 : memref<1x48x896xf32, #tpu.memory_space<hbm>> -> memref<48x896xf32, #tpu.memory_space<hbm>>
    %dma_start3A_128 = tpu.memref_slice %arg9[%dma_start3A_119] : memref<2x!tpu.dma_semaphore, #tpu.memory_space<semaphore_mem>> -> memref<1x!tpu.dma_semaphore, #tpu.memory_space<semaphore_mem>>
    %dma_start3A_129 = tpu.memref_squeeze %dma_start3A_128 : memref<1x!tpu.dma_semaphore, #tpu.memory_space<semaphore_mem>> -> memref<!tpu.dma_semaphore, #tpu.memory_space<semaphore_mem>>
    %dma_start3A_130 = arith.constant 0 : i32
    %dma_start3A_131 = arith.constant 0 : i32
    %dma_start3A_132 = tpu.memref_slice %arg4[%add3A_117, %dma_start3A_130, %dma_start3A_131] : memref<1024x50x1000xf32, #tpu.memory_space<hbm>> -> memref<1x48x896xf32, #tpu.memory_space<hbm>>
    %dma_start3A_133 = tpu.memref_squeeze %dma_start3A_132 : memref<1x48x896xf32, #tpu.memory_space<hbm>> -> memref<48x896xf32, #tpu.memory_space<hbm>>
    %dma_start3A_134 = arith.constant 0 : i32
    %dma_start3A_135 = arith.constant 0 : i32
    %dma_start3A_136 = tpu.memref_slice %arg6[%dma_start3A_118, %dma_start3A_134, %dma_start3A_135] : memref<2x48x1024xf32, #tpu.memory_space<vmem>> -> memref<1x48x896xf32, #tpu.memory_space<vmem>>
    %dma_start3A_137 = tpu.memref_squeeze %dma_start3A_136 : memref<1x48x896xf32, #tpu.memory_space<vmem>> -> memref<48x896xf32, #tpu.memory_space<vmem>>
    tpu.enqueue_dma source(%dma_start3A_137 : memref<48x896xf32, #tpu.memory_space<vmem>>) target(%dma_start3A_133 : memref<48x896xf32, #tpu.memory_space<hbm>>) target_semaphore(%dma_start3A_129 : memref<!tpu.dma_semaphore, #tpu.memory_space<semaphore_mem>>)
    %add3A_138 = arith.constant 31 : i32
    %add3A_139 = arith.addi %mul3A_2, %add3A_138 : i32
    %dma_start3A_140 = arith.constant 1 : i32
    %dma_start3A_141 = arith.constant 1 : i32
    %dma_start3A_142 = arith.constant 0 : i32
    %dma_start3A_143 = arith.constant 0 : i32
    %dma_start3A_144 = tpu.memref_slice %arg7[%dma_start3A_140, %dma_start3A_142, %dma_start3A_143] : memref<2x48x104xf32, #tpu.memory_space<vmem>> -> memref<1x48x104xf32, #tpu.memory_space<vmem>>
    %dma_start3A_145 = tpu.memref_squeeze %dma_start3A_144 : memref<1x48x104xf32, #tpu.memory_space<vmem>> -> memref<48x104xf32, #tpu.memory_space<vmem>>
    %dma_start3A_146 = arith.constant 0 : i32
    %dma_start3A_147 = arith.constant 896 : i32
    %dma_start3A_148 = tpu.memref_slice %arg4[%add3A_139, %dma_start3A_146, %dma_start3A_147] : memref<1024x50x1000xf32, #tpu.memory_space<hbm>> -> memref<1x48x104xf32, #tpu.memory_space<hbm>>
    %dma_start3A_149 = tpu.memref_squeeze %dma_start3A_148 : memref<1x48x104xf32, #tpu.memory_space<hbm>> -> memref<48x104xf32, #tpu.memory_space<hbm>>
    %dma_start3A_150 = tpu.memref_slice %arg9[%dma_start3A_141] : memref<2x!tpu.dma_semaphore, #tpu.memory_space<semaphore_mem>> -> memref<1x!tpu.dma_semaphore, #tpu.memory_space<semaphore_mem>>
    %dma_start3A_151 = tpu.memref_squeeze %dma_start3A_150 : memref<1x!tpu.dma_semaphore, #tpu.memory_space<semaphore_mem>> -> memref<!tpu.dma_semaphore, #tpu.memory_space<semaphore_mem>>
    %dma_start3A_152 = arith.constant 0 : i32
    %dma_start3A_153 = arith.constant 896 : i32
    %dma_start3A_154 = tpu.memref_slice %arg4[%add3A_139, %dma_start3A_152, %dma_start3A_153] : memref<1024x50x1000xf32, #tpu.memory_space<hbm>> -> memref<1x48x104xf32, #tpu.memory_space<hbm>>
    %dma_start3A_155 = tpu.memref_squeeze %dma_start3A_154 : memref<1x48x104xf32, #tpu.memory_space<hbm>> -> memref<48x104xf32, #tpu.memory_space<hbm>>
    %dma_start3A_156 = arith.constant 0 : i32
    %dma_start3A_157 = arith.constant 0 : i32
    %dma_start3A_158 = tpu.memref_slice %arg7[%dma_start3A_140, %dma_start3A_156, %dma_start3A_157] : memref<2x48x104xf32, #tpu.memory_space<vmem>> -> memref<1x48x104xf32, #tpu.memory_space<vmem>>
    %dma_start3A_159 = tpu.memref_squeeze %dma_start3A_158 : memref<1x48x104xf32, #tpu.memory_space<vmem>> -> memref<48x104xf32, #tpu.memory_space<vmem>>
    tpu.enqueue_dma source(%dma_start3A_159 : memref<48x104xf32, #tpu.memory_space<vmem>>) target(%dma_start3A_155 : memref<48x104xf32, #tpu.memory_space<hbm>>) target_semaphore(%dma_start3A_151 : memref<!tpu.dma_semaphore, #tpu.memory_space<semaphore_mem>>)
    %add3A_160 = arith.constant 30 : i32
    %add3A_161 = arith.addi %mul3A_2, %add3A_160 : i32
    %dma_wait3A_162 = arith.constant 0 : i32
    %dma_wait3A_163 = arith.constant 0 : i32
    %dma_wait3A_164 = arith.constant 0 : i32
    %dma_wait3A_165 = arith.constant 0 : i32
    %dma_wait3A_166 = tpu.memref_slice %arg6[%dma_wait3A_162, %dma_wait3A_164, %dma_wait3A_165] : memref<2x48x1024xf32, #tpu.memory_space<vmem>> -> memref<1x48x896xf32, #tpu.memory_space<vmem>>
    %dma_wait3A_167 = tpu.memref_squeeze %dma_wait3A_166 : memref<1x48x896xf32, #tpu.memory_space<vmem>> -> memref<48x896xf32, #tpu.memory_space<vmem>>
    %dma_wait3A_168 = arith.constant 0 : i32
    %dma_wait3A_169 = arith.constant 0 : i32
    %dma_wait3A_170 = tpu.memref_slice %arg4[%add3A_161, %dma_wait3A_168, %dma_wait3A_169] : memref<1024x50x1000xf32, #tpu.memory_space<hbm>> -> memref<1x48x896xf32, #tpu.memory_space<hbm>>
    %dma_wait3A_171 = tpu.memref_squeeze %dma_wait3A_170 : memref<1x48x896xf32, #tpu.memory_space<hbm>> -> memref<48x896xf32, #tpu.memory_space<hbm>>
    %dma_wait3A_172 = tpu.memref_slice %arg9[%dma_wait3A_163] : memref<2x!tpu.dma_semaphore, #tpu.memory_space<semaphore_mem>> -> memref<1x!tpu.dma_semaphore, #tpu.memory_space<semaphore_mem>>
    %dma_wait3A_173 = tpu.memref_squeeze %dma_wait3A_172 : memref<1x!tpu.dma_semaphore, #tpu.memory_space<semaphore_mem>> -> memref<!tpu.dma_semaphore, #tpu.memory_space<semaphore_mem>>
    %dma_wait3A_174 = arith.constant 0 : i32
    %dma_wait3A_175 = arith.constant 0 : i32
    %dma_wait3A_176 = tpu.memref_slice %arg4[%add3A_161, %dma_wait3A_174, %dma_wait3A_175] : memref<1024x50x1000xf32, #tpu.memory_space<hbm>> -> memref<1x48x896xf32, #tpu.memory_space<hbm>>
    %dma_wait3A_177 = tpu.memref_squeeze %dma_wait3A_176 : memref<1x48x896xf32, #tpu.memory_space<hbm>> -> memref<48x896xf32, #tpu.memory_space<hbm>>
    %dma_wait3A_178 = arith.constant 0 : i32
    %dma_wait3A_179 = arith.constant 0 : i32
    %dma_wait3A_180 = tpu.memref_slice %arg6[%dma_wait3A_162, %dma_wait3A_178, %dma_wait3A_179] : memref<2x48x1024xf32, #tpu.memory_space<vmem>> -> memref<1x48x896xf32, #tpu.memory_space<vmem>>
    %dma_wait3A_181 = tpu.memref_squeeze %dma_wait3A_180 : memref<1x48x896xf32, #tpu.memory_space<vmem>> -> memref<48x896xf32, #tpu.memory_space<vmem>>
    tpu.wait_dma2 semaphore(%dma_wait3A_173 : memref<!tpu.dma_semaphore, #tpu.memory_space<semaphore_mem>>) src(%dma_wait3A_181 : memref<48x896xf32, #tpu.memory_space<vmem>>) dst(%dma_wait3A_177 : memref<48x896xf32, #tpu.memory_space<hbm>>)
    %add3A_182 = arith.constant 30 : i32
    %add3A_183 = arith.addi %mul3A_2, %add3A_182 : i32
    %dma_wait3A_184 = arith.constant 0 : i32
    %dma_wait3A_185 = arith.constant 0 : i32
    %dma_wait3A_186 = arith.constant 0 : i32
    %dma_wait3A_187 = arith.constant 0 : i32
    %dma_wait3A_188 = tpu.memref_slice %arg7[%dma_wait3A_184, %dma_wait3A_186, %dma_wait3A_187] : memref<2x48x104xf32, #tpu.memory_space<vmem>> -> memref<1x48x104xf32, #tpu.memory_space<vmem>>
    %dma_wait3A_189 = tpu.memref_squeeze %dma_wait3A_188 : memref<1x48x104xf32, #tpu.memory_space<vmem>> -> memref<48x104xf32, #tpu.memory_space<vmem>>
    %dma_wait3A_190 = arith.constant 0 : i32
    %dma_wait3A_191 = arith.constant 896 : i32
    %dma_wait3A_192 = tpu.memref_slice %arg4[%add3A_183, %dma_wait3A_190, %dma_wait3A_191] : memref<1024x50x1000xf32, #tpu.memory_space<hbm>> -> memref<1x48x104xf32, #tpu.memory_space<hbm>>
    %dma_wait3A_193 = tpu.memref_squeeze %dma_wait3A_192 : memref<1x48x104xf32, #tpu.memory_space<hbm>> -> memref<48x104xf32, #tpu.memory_space<hbm>>
    %dma_wait3A_194 = tpu.memref_slice %arg9[%dma_wait3A_185] : memref<2x!tpu.dma_semaphore, #tpu.memory_space<semaphore_mem>> -> memref<1x!tpu.dma_semaphore, #tpu.memory_space<semaphore_mem>>
    %dma_wait3A_195 = tpu.memref_squeeze %dma_wait3A_194 : memref<1x!tpu.dma_semaphore, #tpu.memory_space<semaphore_mem>> -> memref<!tpu.dma_semaphore, #tpu.memory_space<semaphore_mem>>
    %dma_wait3A_196 = arith.constant 0 : i32
    %dma_wait3A_197 = arith.constant 896 : i32
    %dma_wait3A_198 = tpu.memref_slice %arg4[%add3A_183, %dma_wait3A_196, %dma_wait3A_197] : memref<1024x50x1000xf32, #tpu.memory_space<hbm>> -> memref<1x48x104xf32, #tpu.memory_space<hbm>>
    %dma_wait3A_199 = tpu.memref_squeeze %dma_wait3A_198 : memref<1x48x104xf32, #tpu.memory_space<hbm>> -> memref<48x104xf32, #tpu.memory_space<hbm>>
    %dma_wait3A_200 = arith.constant 0 : i32
    %dma_wait3A_201 = arith.constant 0 : i32
    %dma_wait3A_202 = tpu.memref_slice %arg7[%dma_wait3A_184, %dma_wait3A_200, %dma_wait3A_201] : memref<2x48x104xf32, #tpu.memory_space<vmem>> -> memref<1x48x104xf32, #tpu.memory_space<vmem>>
    %dma_wait3A_203 = tpu.memref_squeeze %dma_wait3A_202 : memref<1x48x104xf32, #tpu.memory_space<vmem>> -> memref<48x104xf32, #tpu.memory_space<vmem>>
    tpu.wait_dma2 semaphore(%dma_wait3A_195 : memref<!tpu.dma_semaphore, #tpu.memory_space<semaphore_mem>>) src(%dma_wait3A_203 : memref<48x104xf32, #tpu.memory_space<vmem>>) dst(%dma_wait3A_199 : memref<48x104xf32, #tpu.memory_space<hbm>>)
    %add3A_204 = arith.constant 31 : i32
    %add3A_205 = arith.addi %mul3A_2, %add3A_204 : i32
    %dma_wait3A_206 = arith.constant 1 : i32
    %dma_wait3A_207 = arith.constant 1 : i32
    %dma_wait3A_208 = arith.constant 0 : i32
    %dma_wait3A_209 = arith.constant 0 : i32
    %dma_wait3A_210 = tpu.memref_slice %arg6[%dma_wait3A_206, %dma_wait3A_208, %dma_wait3A_209] : memref<2x48x1024xf32, #tpu.memory_space<vmem>> -> memref<1x48x896xf32, #tpu.memory_space<vmem>>
    %dma_wait3A_211 = tpu.memref_squeeze %dma_wait3A_210 : memref<1x48x896xf32, #tpu.memory_space<vmem>> -> memref<48x896xf32, #tpu.memory_space<vmem>>
    %dma_wait3A_212 = arith.constant 0 : i32
    %dma_wait3A_213 = arith.constant 0 : i32
    %dma_wait3A_214 = tpu.memref_slice %arg4[%add3A_205, %dma_wait3A_212, %dma_wait3A_213] : memref<1024x50x1000xf32, #tpu.memory_space<hbm>> -> memref<1x48x896xf32, #tpu.memory_space<hbm>>
    %dma_wait3A_215 = tpu.memref_squeeze %dma_wait3A_214 : memref<1x48x896xf32, #tpu.memory_space<hbm>> -> memref<48x896xf32, #tpu.memory_space<hbm>>
    %dma_wait3A_216 = tpu.memref_slice %arg9[%dma_wait3A_207] : memref<2x!tpu.dma_semaphore, #tpu.memory_space<semaphore_mem>> -> memref<1x!tpu.dma_semaphore, #tpu.memory_space<semaphore_mem>>
    %dma_wait3A_217 = tpu.memref_squeeze %dma_wait3A_216 : memref<1x!tpu.dma_semaphore, #tpu.memory_space<semaphore_mem>> -> memref<!tpu.dma_semaphore, #tpu.memory_space<semaphore_mem>>
    %dma_wait3A_218 = arith.constant 0 : i32
    %dma_wait3A_219 = arith.constant 0 : i32
    %dma_wait3A_220 = tpu.memref_slice %arg4[%add3A_205, %dma_wait3A_218, %dma_wait3A_219] : memref<1024x50x1000xf32, #tpu.memory_space<hbm>> -> memref<1x48x896xf32, #tpu.memory_space<hbm>>
    %dma_wait3A_221 = tpu.memref_squeeze %dma_wait3A_220 : memref<1x48x896xf32, #tpu.memory_space<hbm>> -> memref<48x896xf32, #tpu.memory_space<hbm>>
    %dma_wait3A_222 = arith.constant 0 : i32
    %dma_wait3A_223 = arith.constant 0 : i32
    %dma_wait3A_224 = tpu.memref_slice %arg6[%dma_wait3A_206, %dma_wait3A_222, %dma_wait3A_223] : memref<2x48x1024xf32, #tpu.memory_space<vmem>> -> memref<1x48x896xf32, #tpu.memory_space<vmem>>
    %dma_wait3A_225 = tpu.memref_squeeze %dma_wait3A_224 : memref<1x48x896xf32, #tpu.memory_space<vmem>> -> memref<48x896xf32, #tpu.memory_space<vmem>>
    tpu.wait_dma2 semaphore(%dma_wait3A_217 : memref<!tpu.dma_semaphore, #tpu.memory_space<semaphore_mem>>) src(%dma_wait3A_225 : memref<48x896xf32, #tpu.memory_space<vmem>>) dst(%dma_wait3A_221 : memref<48x896xf32, #tpu.memory_space<hbm>>)
    %add3A_226 = arith.constant 31 : i32
    %add3A_227 = arith.addi %mul3A_2, %add3A_226 : i32
    %dma_wait3A_228 = arith.constant 1 : i32
    %dma_wait3A_229 = arith.constant 1 : i32
    %dma_wait3A_230 = arith.constant 0 : i32
    %dma_wait3A_231 = arith.constant 0 : i32
    %dma_wait3A_232 = tpu.memref_slice %arg7[%dma_wait3A_228, %dma_wait3A_230, %dma_wait3A_231] : memref<2x48x104xf32, #tpu.memory_space<vmem>> -> memref<1x48x104xf32, #tpu.memory_space<vmem>>
    %dma_wait3A_233 = tpu.memref_squeeze %dma_wait3A_232 : memref<1x48x104xf32, #tpu.memory_space<vmem>> -> memref<48x104xf32, #tpu.memory_space<vmem>>
    %dma_wait3A_234 = arith.constant 0 : i32
    %dma_wait3A_235 = arith.constant 896 : i32
    %dma_wait3A_236 = tpu.memref_slice %arg4[%add3A_227, %dma_wait3A_234, %dma_wait3A_235] : memref<1024x50x1000xf32, #tpu.memory_space<hbm>> -> memref<1x48x104xf32, #tpu.memory_space<hbm>>
    %dma_wait3A_237 = tpu.memref_squeeze %dma_wait3A_236 : memref<1x48x104xf32, #tpu.memory_space<hbm>> -> memref<48x104xf32, #tpu.memory_space<hbm>>
    %dma_wait3A_238 = tpu.memref_slice %arg9[%dma_wait3A_229] : memref<2x!tpu.dma_semaphore, #tpu.memory_space<semaphore_mem>> -> memref<1x!tpu.dma_semaphore, #tpu.memory_space<semaphore_mem>>
    %dma_wait3A_239 = tpu.memref_squeeze %dma_wait3A_238 : memref<1x!tpu.dma_semaphore, #tpu.memory_space<semaphore_mem>> -> memref<!tpu.dma_semaphore, #tpu.memory_space<semaphore_mem>>
    %dma_wait3A_240 = arith.constant 0 : i32
    %dma_wait3A_241 = arith.constant 896 : i32
    %dma_wait3A_242 = tpu.memref_slice %arg4[%add3A_227, %dma_wait3A_240, %dma_wait3A_241] : memref<1024x50x1000xf32, #tpu.memory_space<hbm>> -> memref<1x48x104xf32, #tpu.memory_space<hbm>>
    %dma_wait3A_243 = tpu.memref_squeeze %dma_wait3A_242 : memref<1x48x104xf32, #tpu.memory_space<hbm>> -> memref<48x104xf32, #tpu.memory_space<hbm>>
    %dma_wait3A_244 = arith.constant 0 : i32
    %dma_wait3A_245 = arith.constant 0 : i32
    %dma_wait3A_246 = tpu.memref_slice %arg7[%dma_wait3A_228, %dma_wait3A_244, %dma_wait3A_245] : memref<2x48x104xf32, #tpu.memory_space<vmem>> -> memref<1x48x104xf32, #tpu.memory_space<vmem>>
    %dma_wait3A_247 = tpu.memref_squeeze %dma_wait3A_246 : memref<1x48x104xf32, #tpu.memory_space<vmem>> -> memref<48x104xf32, #tpu.memory_space<vmem>>
    tpu.wait_dma2 semaphore(%dma_wait3A_239 : memref<!tpu.dma_semaphore, #tpu.memory_space<semaphore_mem>>) src(%dma_wait3A_247 : memref<48x104xf32, #tpu.memory_space<vmem>>) dst(%dma_wait3A_243 : memref<48x104xf32, #tpu.memory_space<hbm>>)
    return
  }
}

module attributes {stable_mosaic.version = 14 : i64} {
  func.func @_fix_body(%arg0: i32, %arg1: memref<1024x50x1000xf32, #tpu.memory_space<any>>, %arg2: memref<64x2x1000xf32, #tpu.memory_space<vmem>>, %arg3: memref<1024x50x1000xf32, #tpu.memory_space<any>>, %arg4: memref<!tpu.dma_semaphore, #tpu.memory_space<semaphore_mem>>) attributes {dimension_semantics = [#tpu.dimension_semantics<arbitrary>], iteration_bounds = array<i64: 16>, scalar_prefetch = 0 : i64, scratch_operands = 1 : i64, tpu.core_type = #tpu.core_type<tc>, window_params = [{}, {transform_indices = @transform_1, window_bounds = array<i64: 64, 2, 1000>}, {}]} {
    %mul3A = arith.constant 64 : i32
    %mul3A_0 = arith.muli %arg0, %mul3A : i32
    %dma_start3A = arith.constant 48 : i32
    %dma_start3A_1 = arith.constant 0 : i32
    %dma_start3A_2 = tpu.memref_slice %arg3[%mul3A_0, %dma_start3A, %dma_start3A_1] : memref<1024x50x1000xf32, #tpu.memory_space<any>> -> memref<64x2x1000xf32, #tpu.memory_space<any>>
    tpu.enqueue_dma source(%arg2 : memref<64x2x1000xf32, #tpu.memory_space<vmem>>) target(%dma_start3A_2 : memref<64x2x1000xf32, #tpu.memory_space<any>>) target_semaphore(%arg4 : memref<!tpu.dma_semaphore, #tpu.memory_space<semaphore_mem>>)
    %dma_wait3A = arith.constant 48 : i32
    %dma_wait3A_3 = arith.constant 0 : i32
    %dma_wait3A_4 = tpu.memref_slice %arg3[%mul3A_0, %dma_wait3A, %dma_wait3A_3] : memref<1024x50x1000xf32, #tpu.memory_space<any>> -> memref<64x2x1000xf32, #tpu.memory_space<any>>
    tpu.wait_dma2 semaphore(%arg4 : memref<!tpu.dma_semaphore, #tpu.memory_space<semaphore_mem>>) src(%arg2 : memref<64x2x1000xf32, #tpu.memory_space<vmem>>) dst(%dma_wait3A_4 : memref<64x2x1000xf32, #tpu.memory_space<any>>)
    return
  }
  func.func @transform_1(%arg0: i32) -> (i32, i32, i32) {
    %c0_i32 = arith.constant 0 : i32
    %c0_i32_0 = arith.constant 0 : i32
    %c0_i32_1 = arith.constant 0 : i32
    return %arg0, %c0_i32, %c0_i32_0 : i32, i32, i32
  }
}

</mosaic_0001>

<sc_bundles>
// kernel: kernel.4.cloned.1.call-start
scs
__scs_entry_jumppad:
0x0: {  	(pc) =	sbr.rel $0x88, $3  }
0x1: {  	(tag) =	ssettag $0x0;
	lr =	simm.s32 $0x1  }
0x2: {  	[smem:$0x3F9F] =	sst lr;
	_ =	strace $0xD0000000  }
0x3: {  	_ = 	snop  }
0x4: {  	_ = 	snop  }
0x5: {  	_ = 	snop  }
0x6: {  	_ = 	snop  }
0x7: {  	_ = 	snop  }
__scs_overlays_trampoline_lowered:
0x8: {  	[smem:$0x3FAE] =	sst s0  }
0x9: {  	[smem:$0x3FAF] =	sst s1  }
0xa: {  	[smem:$0x3FB0] =	sst s2  }
0xb: {  	[smem:$0x3FB1] =	sst s3  }
0xc: {  	[smem:$0x3FB2] =	sst s4  }
0xd: {  	[smem:$0x3FB3] =	sst s5  }
0xe: {  	[smem:$0x3FB4] =	sst s6  }
0xf: {  	[smem:$0x3FB5] =	sst s7  }
0x10: {  	[smem:$0x3FB6] =	sst s8  }
0x11: {  	[smem:$0x3FB7] =	sst s9;
	s0 =	simm.s32 @!p0 $0x0  }
0x12: {  	s1 =	sld [smem:$0x3F9D];
	s0 =	simm.s32 @p0 $0x1  }
0x13: {  	[smem:$0x3FB8] =	sst s0;
	s0 =	simm.s32 @!p1 $0x0  }
0x14: {  	s2 =	sld [smem:$0x3F9C];
	s0 =	simm.s32 @p1 $0x1  }
0x15: {  	[smem:$0x3FB9] =	sst s0;
	s0 =	simm.s32 @!p2 $0x0  }
0x16: {  	s3 =	sld [smem:$0x3FDB];
	s0 =	simm.s32 @p2 $0x1  }
0x17: {  	s4 =	simm.s32 $0x1BF5;
	[smem:$0x3FBB] =	sst s0  }
0x18: {  	s0 =	sld [smem:$0x3F9E];
	_ =	swait.ge [sflag:s4], $0x0  }
0x19: {  	s7 =	sld [smem:$0x3F9F]  }
0x1a: {  	s8 =	sadd.s32 $0xFFFFE003, lr  }
0x1b: {  	s9 =	sadd.s32 $0xFFFFFEF7, lr;
	s5 =	simm.s32 $0xFFFFFFFF;
	p2 =	slt.u32 s8, $0xFFFFF086  }
0x1c: {  	p1 =	slt.u32 s9, $0xF7A;
	s5 =	simm.s32 @!p2 $0x0  }
0x1d: {  	s5 =	simm.s32 @p1 $0x1;
	p0 =	seq.s32 s7, s2  }
0x1e: {  	s7 =	smul.u32 @!p0 $0xF7A, s2;
	p2 =	seq.s32 @!p0 s5, $0x0  }
0x1f: {  	s9 =	smul.u32 $0xF7A, s1;
	s8 =	simm.s32 @!p0 $0x1BF5;
	p2 =	por !p2, p0  }
0x20: {  	[sflag:s8] =	ssyncset.s32 @!p0 $0xFFFFF086;
	s6 =	sadd.s32 @!p0 s3, s7;
	s7 =	simm.s32 @!p0 $0x108  }
0x21: {  	s3 =	sadd.s32 s3, s9;
	s6 =	sadd.s32 @!p0 $0x88, s6;
	s7 =	simm.s32 @p2 $0x1082  }
0x22: {  	[simem:s7], [sflag:s8] =	dma.local @!p0 [hbm:s6], $0xF7A  }
0x23: {  	s9 =	sor.u32 $0xD0000000, s2;
	s6 =	simm.s32 $0x108;
	_ =	swait.ge @!p0 [sflag:s8], $0x0  }
0x24: {  	s3 =	sadd.s32 $0x88, s3;
	s6 =	simm.s32 @!p1 $0x1082;
	[sflag:s4] =	ssyncset.s32 $0xFFFFF086  }
0x25: {  	[simem:s6], [sflag:s4] =	dma.local [hbm:s3], $0xF7A  }
0x26: {  	[smem:$0x3F9F] =	sst s1;
	(tag) =	ssettag s2;
	_ =	strace s9  }
0x27: {  	s1 =	sld [smem:$0x3FAF]  }
0x28: {  	s2 =	sld [smem:$0x3FB0]  }
0x29: {  	s4 =	sld [smem:$0x3FB2]  }
0x2a: {  	p0 =	seq.s32 s5, $0x0;
	s5 =	sld [smem:$0x3FB3]  }
0x2b: {  	s6 =	sld [smem:$0x3FB4]  }
0x2c: {  	s7 =	sld [smem:$0x3FB5]  }
0x2d: {  	s3 =	simm.s32 $0x108;
	s8 =	sld [smem:$0x3FB6]  }
0x2e: {  	s3 =	simm.s32 @!p0 $0x1082;
	s9 =	sld [smem:$0x3FB7]  }
0x2f: {  	lr =	sadd.s32 s0, s3;
	s0 =	sld [smem:$0x3FAE]  }
0x30: {  	s3 =	sld [smem:$0x3FB1]  }
0x31: {  	[smem:$0x3FBA] =	sst s10  }
0x32: {  	s10 =	sld [smem:$0x3FB8];
	_ =	sdelay $0x3  }
0x33: {  	p0 =	seq.s32 s10, $0x1;
	s10 =	sld [smem:$0x3FBA];
	_ =	sdelay $0x3  }
0x34: {  	[smem:$0x3FBA] =	sst s10  }
0x35: {  	s10 =	sld [smem:$0x3FB9];
	_ =	sdelay $0x3  }
0x36: {  	p1 =	seq.s32 s10, $0x1;
	s10 =	sld [smem:$0x3FBA];
	_ =	sdelay $0x3  }
0x37: {  	[smem:$0x3FBA] =	sst s10  }
0x38: {  	s10 =	sld [smem:$0x3FBB]  }
0x39: {  	_ = 	snop;
	(pc) =	sbr.ind lr, $3  }
0x3a: {  	_ = 	snop  }
0x3b: {  	_ = 	snop  }
0x3c: {  	p2 =	seq.s32 s10, $0x1;
	s10 =	sld [smem:$0x3FBA]  }
0x3d: {  	_ =	shalt  }
0x3e: {  	_ =	shalt  }
0x3f: {  	_ =	shalt  }
0x40: {  	_ =	shalt  }
0x41: {  	_ =	shalt  }
0x42: {  	_ =	shalt  }
0x43: {  	_ =	shalt  }
0x44: {  	_ =	shalt  }
0x45: {  	_ =	shalt  }
0x46: {  	_ =	shalt  }
0x47: {  	_ =	shalt  }
0x48: {  	_ =	shalt  }
0x49: {  	_ =	shalt  }
0x4a: {  	_ =	shalt  }
0x4b: {  	_ =	shalt  }
0x4c: {  	_ =	shalt  }
0x4d: {  	_ =	shalt  }
0x4e: {  	_ =	shalt  }
0x4f: {  	_ =	shalt  }
0x50: {  	_ =	shalt  }
0x51: {  	_ =	shalt  }
0x52: {  	_ =	shalt  }
0x53: {  	_ =	shalt  }
0x54: {  	_ =	shalt  }
0x55: {  	_ =	shalt  }
0x56: {  	_ =	shalt  }
0x57: {  	_ =	shalt  }
0x58: {  	_ =	shalt  }
0x59: {  	_ =	shalt  }
0x5a: {  	_ =	shalt  }
0x5b: {  	_ =	shalt  }
0x5c: {  	_ =	shalt  }
0x5d: {  	_ =	shalt  }
0x5e: {  	_ =	shalt  }
0x5f: {  	_ =	shalt  }
0x60: {  	_ =	shalt  }
0x61: {  	_ =	shalt  }
0x62: {  	_ =	shalt  }
0x63: {  	_ =	shalt  }
0x64: {  	_ =	shalt  }
0x65: {  	_ =	shalt  }
0x66: {  	_ =	shalt  }
0x67: {  	_ =	shalt  }
0x68: {  	_ =	shalt  }
0x69: {  	_ =	shalt  }
0x6a: {  	_ =	shalt  }
0x6b: {  	_ =	shalt  }
0x6c: {  	_ =	shalt  }
0x6d: {  	_ =	shalt  }
0x6e: {  	_ =	shalt  }
0x6f: {  	_ =	shalt  }
0x70: {  	_ =	shalt  }
0x71: {  	_ =	shalt  }
0x72: {  	_ =	shalt  }
0x73: {  	_ =	shalt  }
0x74: {  	_ =	shalt  }
0x75: {  	_ =	shalt  }
0x76: {  	_ =	shalt  }
0x77: {  	_ =	shalt  }
0x78: {  	_ =	shalt  }
0x79: {  	_ =	shalt  }
0x7a: {  	_ =	shalt  }
0x7b: {  	_ =	shalt  }
0x7c: {  	_ =	shalt  }
0x7d: {  	_ =	shalt  }
0x7e: {  	_ =	shalt  }
0x7f: {  	_ =	shalt  }
0x80: {  	_ =	shalt  }
0x81: {  	_ =	shalt  }
0x82: {  	_ =	shalt  }
0x83: {  	_ =	shalt  }
0x84: {  	_ =	shalt  }
0x85: {  	_ =	shalt  }
0x86: {  	_ =	shalt  }
0x87: {  	_ =	shalt  }
.Lfunc_end0:
.L_simem_size_0:
called_computation_lowered:
.L_overlay_start_0:
0x88: {  	s2 =	sld [smem:$0x3FD9]  }
0x89: {  	s3 =	sld [smem:$0x3FFE];
	_ =	sdelay $0x1  }
0x8a: {  	s1 =	srdreg.scid  }
0x8b: {  	s0 =	sand.u32 $0x1, s1  }
0x8c: {  	s17 =	sshll.u32 s0, $0xA;
	s2 =	sadd.s32 s3, s2  }
0x8d: {  	s2 =	sadd.s32 s2, s17  }
0x8e: {  	[smem:$0x3FC6] =	sst s2  }
0x8f: {  	_ = 	snop  }
0x90: {  	s2 =	sld [smem:$0x3FD0];
	(tm) =	ssettm $0x1  }
0x91: {  	s18 =	sld [smem:$0x3FFB];
	_ =	sdelay $0x3  }
0x92: {  	_ =	strace s18  }
0x93: {  	s3 =	sld [smem:$0x3FFC];
	_ =	sdelay $0x3  }
0x94: {  	_ =	strace s3  }
0x95: {  	s3 =	sld [smem:$0x3FFD];
	_ =	sdelay $0x3  }
0x96: {  	_ =	strace s3  }
0x97: {  	_ =	strace $0x8FFFFFFF  }
0x98: {  	s19 =	sld [smem:$0x3FDB];
	_ =	sdelay $0x1  }
0x99: {  	s4 =	simm.s32 $_scs_section_size  }
0x9a: {  	s5 =	simm.s32 $_size__tile_overlayer_lowered;
	s6 =	simm.s32 $_tile_overlayer_lowered  }
0x9b: {  	s22 =	simm.s32 $0x1BFF;
	s21 =	sshll.u32 s6, $0x1;
	s3 =	sadd.s32 s4, s19  }
0x9c: {  	s7 =	simm.s32 $0x0;
	s20 =	sshll.u32 s5, $0x1;
	s5 =	sadd.s32 s21, s3  }
0x9d: {  	[timem:s7], [sflag:s22] =	dma.local [hbm:s5], s20  }
0x9e: {  	_ =	swait.ge [sflag:s22], s20  }
0x9f: {  	s4 =	ssub.s32 $0x0, s20;
	[sflag:s22] =	ssyncset.done $0x0  }
0xa0: {  	[sflag:s22] =	ssyncadd.s32 s4;
	_ =	sdelay $0x1  }
0xa1: {  	s23 =	simm.s32 $0x1B8B  }
0xa2: {  	_ =	swait.ge [sflag:s23], $0x1  }
0xa3: {  	[sflag:s23] =	ssyncset.done $0x0  }
0xa4: {  	s25 =	simm.s32 $0x1B8E;
	s24 =	sld [smem:$0x3FFE];
	[sflag:s23] =	ssyncadd.s32 $0xFFFFFFFF  }
0xa5: {  	s26 =	simm.s32 $execute0_lowered;
	[smem:$0x3FD2] =	sst s25  }
0xa6: {  	s5 =	sshll.u32 s26, $0x1;
	_ =	strace $0x80000046;
	[dreg:$0x1] =	wrdreg $0xFFFFFFFF  }
0xa7: {  	s28 =	simm.s32 $_size_execute0_lowered;
	s3 =	sadd.s32 s3, s5;
	[dreg:$0x0] =	wrdreg $0x0  }
0xa8: {  	s5 =	sshll.u32 s28, $0x1;
	[dreg:$0x2] =	wrdreg s3  }
0xa9: {  	[dreg:$0x3] =	wrdreg s5  }
0xaa: {  	[dreg:$0x4] =	wrdreg $0xC0  }
0xab: {  	_ =	task [dreg:s7], $0x5FFFF  }
0xac: {  	[dreg:$0x1] =	wrdreg $0xFFFFFFFF  }
0xad: {  	[dreg:$0x0] =	wrdreg $0x60  }
0xae: {  	[dreg:$0x2] =	wrdreg s2  }
0xaf: {  	[dreg:$0x3] =	wrdreg s24  }
0xb0: {  	[dreg:$0x4] =	wrdreg $0x9  }
0xb1: {  	_ =	task.clear_ibuf [dreg:s7], $0x5FFFF;
	_ =	strace $0x90000046  }
0xb2: {  	s29 =	simm.s32 $0x9;
	_ =	strace $0x80000048  }
0xb3: {  	_ =	swait.ge [sflag:s29], $0x1  }
0xb4: {  	[sflag:s29] =	ssyncadd.s32 $0xFFFFFFFF  }
0xb5: {  	_ =	strace $0x90000048  }
0xb6: {  	_ =	sfence  }
0xb7: {  	s30 =	sld [smem:$0x0];
	_ =	sdelay $0x2  }
0xb8: {  	s31 =	sshll.u32 s1, $0xD;
	s1 =	sshrl.u32 s1, $0x2  }
0xb9: {  	s3 =	sand.u32 $0x4000, s31;
	s1 =	sadd.s32 s1, s30  }
0xba: {  	s0 =	sor.u32 s3, s0;
	s1 =	sshll.u32 s1, $0x11  }
0xbb: {  	s0 =	sor.u32 s1, s0  }
0xbc: {  	s0 =	sadd.s32 $0x8F2B, s0  }
0xbd: {  	[sflag:s0] =	ssyncadd.remote.s32 $0x1  }
0xbe: {  	_ =	sfence.sel $0xFFFF  }
0xbf: {  	[dreg:$0x0] =	wrdreg $0xFFFFFFFF;
	(pc) =	sbr.abs _section_cstart, $3  }
0xc0: {  	[dreg:$0x1] =	wrdreg $0xFFFFFFFF  }
0xc1: {  	_ =	task.clear_ibuf [dreg:s7], $0x2FFFF;
	_ =	strace $0x9FFFFFFF  }
0xc2: {  	(tm) =	ssettm $0x7FFFFFFF  }
0xc3: {  	_ =	shalt  }
tec
execute0_lowered:
.L_overlay_start_1:
0x0: {  	(tag) =	ssettag $0x1  }
0x1: {  	s0 =	srdreg.scid;
	s2 =	rddreg [dreg:$0x0]  }
0x2: {  	s1 =	stileid.u32;
	s5 =	rddreg [dreg:$0x1]  }
0x3: {  	s3 =	simm.s32 $0x0;
	s21 =	simm.s32 $0x2700;
	s30 =	simm.s32 $0x6700  }
0x4: {  	s16 =	simm.s32 $0xA700;
	s19 =	simm.s32 $0xC700;
	s31 =	simm.s32 $0x10700  }
0x5: {  	s14 =	simm.s32 $0x12700;
	s18 =	simm.s32 $0x14700;
	s12 =	simm.s32 $0x400  }
0x6: {  	s15 =	simm.s32 $0x2000;
	s13 =	simm.s32 $0x2;
	s22 =	simm.s32 $0x3  }
0x7: {  	s23 =	simm.s32 $0x4;
	s0 =	sand.u32 $0x1, s0;
	s1 =	sshll.u32 s1, $0x1  }
0x8: {  	[smem:$0x7FF] =	sst s3;
	s8 =	sadd.s32 $0x200, s2;
	s1 =	sor.u32 s0, s1  }
0x9: {  	s10 =	sadd.s32 $0x2580, s5;
	s0 =	ssub.s32 $0x2, s0;
	s4 =	smul.u32 $0xE0, s1  }
0xa: {  	s7 =	sshrl.u32 s0, $0x1;
	s9 =	smul.u32 $0x1C0000, s1;
	s1 =	sshll.u32 s1, $0x5  }
0xb: {  	_ =	strace $0x80000047;
	s0 =	ssub.s32 s0, s7;
	[dreg:$0x3] =	wrdreg s1  }
0xc: {  	s7 =	sadd.s32 $0x100, s2;
	s6 =	sadd.s32 s4, s5;
	s4 =	sadd.s32 $0x2200, s5  }
0xd: {  	v0 =	vimm.s32 $0xFEDCBA98;
	s25 =	sshrl.u32 s9, $0x3;
	s9 =	sadd.s32 $0x300, s2;
	s0 =	smax.u32 s0, $0x1  }
0xe: {  	v1 =	vimm.s32 $0x76543210;
	v0 =	vunpack.c.l.s4.s8 v0;
	s24 =	sadd.s32 $0x600, s6;
	s1 =	sadd.s32 s4, s25;
	[dreg:$0x9] =	wrdreg s0  }
0xf: {  	v1 =	vunpack.c.l.s4.s8 v1;
	s5 =	simm.s32 $0x0;
	[dreg:$0x4] =	wrdreg s24;
	s26 =	sadd.s32 $0x34800, s1  }
0x10: {  	v2 =	vlaneseq.u32;
	v3 =	vunpack.c.0.s8.s32 v0;
	s25 =	simm.s32 $0x4700;
	s28 =	sadd.s32 $0x34B80, s1;
	[dreg:$0x5] =	wrdreg s26  }
0x11: {  	vm0 =	vmmov $0xffff;
	vm1 =	vmmov $0xff;
	v5 =	vunpack.c.0.s8.s32 v1;
	s6 =	simm.s32 $0x8700;
	s29 =	sadd.s32 $0x36400, s1;
	[dreg:$0x6] =	wrdreg s28  }
0x12: {  	v4 =	vshrl.u32 v2, $0x3;
	v0 =	vand.u32 $0x7, v2;
	v3 =	vand.u32 $0xF, v3;
	s0 =	simm.s32 $0x1;
	s1 =	sadd.s32 $0x36780, s1;
	[dreg:$0x7] =	wrdreg s29  }
0x13: {  	v1 =	vmul.u32 $0x8, v4;
	v2 =	vor.u32 $0x8, v2;
	v3 =	vcombine.low v3, v5;
	s24 =	simm.s32 $0xE700;
	[dreg:$0x8] =	wrdreg s1;
	s26 =	simm.s32 $0x16700  }
.LBB2_1:
0x14: {  	[dreg:$0xa] =	wrdreg s5  }
0x15: {  	s1 =	rddreg [dreg:$0x4];
	s17 =	simm.s32 $0x5  }
0x16: {  	[tilespmem:s3], [sflag:$0x5] =	stream.linear.gather [hbm4b:s1+s3], $0x700, $0x38;
	[tilespmem:$0x1B700] =	vst v63  }
0x17: {  	_ =	swait.ge [sflag:s17], $0x700  }
0x18: {  	[sflag:s17] =	ssyncset.done $0x0  }
0x19: {  	[sflag:s17] =	ssyncadd.s32 $0xFFFFF900  }
0x1a: {  	v4 =	vld [tilespmem:$0x0];
	_ =	sdelay $0x4  }
0x1b: {  	v5 =	vshll.u32 v4, $0x3  }
0x1c: {  	v4 =	vand.u32 $0x7, v4;
	v5 =	vand.u32 $0xFFFFFFC0, v5  }
0x1d: {  	v4 =	vor.u32 v4, v5  }
0x1e: {  	v5 =	vperm.xlane v4, v0;
	_ =	sdelay $0x1  }
0x1f: {  	v5 =	vadd.s32 v1, v5;
	_ =	sdelay $0x3  }
0x20: {  	s20 =	simm.s32 $0x700  }
0x21: {  	[tilespmem:s20], [sflag:$0x1] =	stream.indirect_vreg.gather [hbm4b:s2+s3], $0x80, v5, vm0, $0xb8;
	[tilespmem:$0x1B700] =	vst v63  }
0x22: {  	s29 =	simm.s32 $0xF00;
	v4 =	vperm.xlane v4, v2  }
0x23: {  	[tilespmem:s29], [sflag:$0x1] =	stream.indirect_vreg.gather [hbm4b:s7+s3], $0x80, v5, vm0, $0xb8;
	[tilespmem:$0x1B700] =	vst v63  }
0x24: {  	s5 =	simm.s32 $0x1700;
	v4 =	vadd.s32 v1, v4  }
0x25: {  	[tilespmem:s5], [sflag:$0x1] =	stream.indirect_vreg.gather [hbm4b:s8+s3], $0x80, v5, vm0, $0xb8;
	[tilespmem:$0x1B700] =	vst v63  }
0x26: {  	s11 =	simm.s32 $0x1F00  }
0x27: {  	[tilespmem:s11], [sflag:$0x1] =	stream.indirect_vreg.gather [hbm4b:s9+s3], $0x80, v5, vm0, $0xb8;
	[tilespmem:$0x1B700] =	vst v63  }
0x28: {  	_ = 	snop  }
0x29: {  	[tilespmem:s21], [sflag:$0x1] =	stream.indirect_vreg.gather [hbm4b:s2+s3], $0x80, v4, vm0, $0xb8;
	[tilespmem:$0x1B700] =	vst v63  }
0x2a: {  	s17 =	simm.s32 $0x2F00  }
0x2b: {  	[tilespmem:s17], [sflag:$0x1] =	stream.indirect_vreg.gather [hbm4b:s7+s3], $0x80, v4, vm0, $0xb8;
	[tilespmem:$0x1B700] =	vst v63  }
0x2c: {  	s20 =	simm.s32 $0x3700  }
0x2d: {  	[tilespmem:s20], [sflag:$0x1] =	stream.indirect_vreg.gather [hbm4b:s8+s3], $0x80, v4, vm0, $0xb8;
	[tilespmem:$0x1B700] =	vst v63  }
0x2e: {  	s29 =	simm.s32 $0x3F00  }
0x2f: {  	[tilespmem:s29], [sflag:$0x1] =	stream.indirect_vreg.gather [hbm4b:s9+s3], $0x80, v4, vm0, $0xb8;
	[tilespmem:$0x1B700] =	vst v63  }
0x30: {  	v4 =	vld [tilespmem:$0x10];
	_ =	sdelay $0x4  }
0x31: {  	v5 =	vshll.u32 v4, $0x3  }
0x32: {  	v4 =	vand.u32 $0x7, v4;
	v5 =	vand.u32 $0xFFFFFFC0, v5  }
0x33: {  	v4 =	vor.u32 v4, v5  }
0x34: {  	v5 =	vperm.xlane v4, v0;
	_ =	sdelay $0x1  }
0x35: {  	v5 =	vadd.s32 v1, v5;
	_ =	sdelay $0x4  }
0x36: {  	[tilespmem:s25], [sflag:$0x1] =	stream.indirect_vreg.gather [hbm4b:s2+s3], $0x80, v5, vm0, $0xb8;
	[tilespmem:$0x1B700] =	vst v63  }
0x37: {  	s5 =	simm.s32 $0x4F00;
	v4 =	vperm.xlane v4, v2  }
0x38: {  	[tilespmem:s5], [sflag:$0x1] =	stream.indirect_vreg.gather [hbm4b:s7+s3], $0x80, v5, vm0, $0xb8;
	[tilespmem:$0x1B700] =	vst v63  }
0x39: {  	s11 =	simm.s32 $0x5700;
	v4 =	vadd.s32 v1, v4  }
0x3a: {  	[tilespmem:s11], [sflag:$0x1] =	stream.indirect_vreg.gather [hbm4b:s8+s3], $0x80, v5, vm0, $0xb8;
	[tilespmem:$0x1B700] =	vst v63  }
0x3b: {  	s17 =	simm.s32 $0x5F00  }
0x3c: {  	[tilespmem:s17], [sflag:$0x1] =	stream.indirect_vreg.gather [hbm4b:s9+s3], $0x80, v5, vm0, $0xb8;
	[tilespmem:$0x1B700] =	vst v63  }
0x3d: {  	_ = 	snop  }
0x3e: {  	[tilespmem:s30], [sflag:$0x1] =	stream.indirect_vreg.gather [hbm4b:s2+s3], $0x80, v4, vm0, $0xb8;
	[tilespmem:$0x1B700] =	vst v63  }
0x3f: {  	s20 =	simm.s32 $0x6F00  }
0x40: {  	[tilespmem:s20], [sflag:$0x1] =	stream.indirect_vreg.gather [hbm4b:s7+s3], $0x80, v4, vm0, $0xb8;
	[tilespmem:$0x1B700] =	vst v63  }
0x41: {  	s29 =	simm.s32 $0x7700  }
0x42: {  	[tilespmem:s29], [sflag:$0x1] =	stream.indirect_vreg.gather [hbm4b:s8+s3], $0x80, v4, vm0, $0xb8;
	[tilespmem:$0x1B700] =	vst v63  }
0x43: {  	s5 =	simm.s32 $0x7F00  }
0x44: {  	[tilespmem:s5], [sflag:$0x1] =	stream.indirect_vreg.gather [hbm4b:s9+s3], $0x80, v4, vm0, $0xb8;
	[tilespmem:$0x1B700] =	vst v63  }
0x45: {  	v4 =	vld [tilespmem:$0x20];
	_ =	sdelay $0x4  }
0x46: {  	v5 =	vshll.u32 v4, $0x3  }
0x47: {  	v4 =	vand.u32 $0x7, v4;
	v5 =	vand.u32 $0xFFFFFFC0, v5  }
0x48: {  	v4 =	vor.u32 v4, v5  }
0x49: {  	v5 =	vperm.xlane v4, v0;
	_ =	sdelay $0x1  }
0x4a: {  	v5 =	vadd.s32 v1, v5;
	_ =	sdelay $0x4  }
0x4b: {  	[tilespmem:s6], [sflag:$0x1] =	stream.indirect_vreg.gather [hbm4b:s2+s3], $0x80, v5, vm0, $0xb8;
	[tilespmem:$0x1B700] =	vst v63  }
0x4c: {  	s11 =	simm.s32 $0x8F00;
	v4 =	vperm.xlane v4, v2  }
0x4d: {  	[tilespmem:s11], [sflag:$0x1] =	stream.indirect_vreg.gather [hbm4b:s7+s3], $0x80, v5, vm0, $0xb8;
	[tilespmem:$0x1B700] =	vst v63  }
0x4e: {  	s17 =	simm.s32 $0x9700;
	v4 =	vadd.s32 v1, v4  }
0x4f: {  	[tilespmem:s17], [sflag:$0x1] =	stream.indirect_vreg.gather [hbm4b:s8+s3], $0x80, v5, vm0, $0xb8;
	[tilespmem:$0x1B700] =	vst v63  }
0x50: {  	s20 =	simm.s32 $0x9F00  }
0x51: {  	[tilespmem:s20], [sflag:$0x1] =	stream.indirect_vreg.gather [hbm4b:s9+s3], $0x80, v5, vm0, $0xb8;
	[tilespmem:$0x1B700] =	vst v63  }
0x52: {  	_ = 	snop  }
0x53: {  	[tilespmem:s16], [sflag:$0x1] =	stream.indirect_vreg.gather [hbm4b:s2+s3], $0x80, v4, vm0, $0xb8;
	[tilespmem:$0x1B700] =	vst v63  }
0x54: {  	s29 =	simm.s32 $0xAF00  }
0x55: {  	[tilespmem:s29], [sflag:$0x1] =	stream.indirect_vreg.gather [hbm4b:s7+s3], $0x80, v4, vm0, $0xb8;
	[tilespmem:$0x1B700] =	vst v63  }
0x56: {  	s5 =	simm.s32 $0xB700  }
0x57: {  	[tilespmem:s5], [sflag:$0x1] =	stream.indirect_vreg.gather [hbm4b:s8+s3], $0x80, v4, vm0, $0xb8;
	[tilespmem:$0x1B700] =	vst v63  }
0x58: {  	s11 =	simm.s32 $0xBF00  }
0x59: {  	[tilespmem:s11], [sflag:$0x1] =	stream.indirect_vreg.gather [hbm4b:s9+s3], $0x80, v4, vm0, $0xb8;
	[tilespmem:$0x1B700] =	vst v63  }
0x5a: {  	v4 =	vld [tilespmem:$0x38];
	_ =	sdelay $0x4  }
0x5b: {  	v5 =	vshll.u32 v4, $0x3  }
0x5c: {  	v4 =	vand.u32 $0x7, v4;
	v5 =	vand.u32 $0xFFFFFFC0, v5  }
0x5d: {  	v4 =	vor.u32 v4, v5  }
0x5e: {  	v5 =	vperm.xlane v4, v0;
	_ =	sdelay $0x1  }
0x5f: {  	v5 =	vadd.s32 v1, v5;
	_ =	sdelay $0x4  }
0x60: {  	[tilespmem:s19], [sflag:$0x2] =	stream.indirect_vreg.gather [hbm4b:s2+s3], $0x80, v5, vm0, $0xb8;
	[tilespmem:$0x1B700] =	vst v63  }
0x61: {  	s17 =	simm.s32 $0xCF00;
	v4 =	vperm.xlane v4, v2  }
0x62: {  	[tilespmem:s17], [sflag:$0x2] =	stream.indirect_vreg.gather [hbm4b:s7+s3], $0x80, v5, vm0, $0xb8;
	[tilespmem:$0x1B700] =	vst v63  }
0x63: {  	s20 =	simm.s32 $0xD700;
	v4 =	vadd.s32 v1, v4  }
0x64: {  	[tilespmem:s20], [sflag:$0x2] =	stream.indirect_vreg.gather [hbm4b:s8+s3], $0x80, v5, vm0, $0xb8;
	[tilespmem:$0x1B700] =	vst v63  }
0x65: {  	s29 =	simm.s32 $0xDF00  }
0x66: {  	[tilespmem:s29], [sflag:$0x2] =	stream.indirect_vreg.gather [hbm4b:s9+s3], $0x80, v5, vm0, $0xb8;
	[tilespmem:$0x1B700] =	vst v63  }
0x67: {  	_ = 	snop  }
0x68: {  	[tilespmem:s24], [sflag:$0x2] =	stream.indirect_vreg.gather [hbm4b:s2+s3], $0x80, v4, vm0, $0xb8;
	[tilespmem:$0x1B700] =	vst v63  }
0x69: {  	s5 =	simm.s32 $0xEF00  }
0x6a: {  	[tilespmem:s5], [sflag:$0x2] =	stream.indirect_vreg.gather [hbm4b:s7+s3], $0x80, v4, vm0, $0xb8;
	[tilespmem:$0x1B700] =	vst v63  }
0x6b: {  	s11 =	simm.s32 $0xF700  }
0x6c: {  	[tilespmem:s11], [sflag:$0x2] =	stream.indirect_vreg.gather [hbm4b:s8+s3], $0x80, v4, vm0, $0xb8;
	[tilespmem:$0x1B700] =	vst v63  }
0x6d: {  	s17 =	simm.s32 $0xFF00  }
0x6e: {  	[tilespmem:s17], [sflag:$0x2] =	stream.indirect_vreg.gather [hbm4b:s9+s3], $0x80, v4, vm0, $0xb8;
	[tilespmem:$0x1B700] =	vst v63  }
0x6f: {  	v4 =	vld [tilespmem:$0x48];
	_ =	sdelay $0x4  }
0x70: {  	v5 =	vshll.u32 v4, $0x3  }
0x71: {  	v4 =	vand.u32 $0x7, v4;
	v5 =	vand.u32 $0xFFFFFFC0, v5  }
0x72: {  	v4 =	vor.u32 v4, v5  }
0x73: {  	v5 =	vperm.xlane v4, v0;
	_ =	sdelay $0x1  }
0x74: {  	v5 =	vadd.s32 v1, v5;
	_ =	sdelay $0x4  }
0x75: {  	[tilespmem:s31], [sflag:$0x2] =	stream.indirect_vreg.gather [hbm4b:s2+s3], $0x80, v5, vm0, $0xb8;
	[tilespmem:$0x1B700] =	vst v63  }
0x76: {  	s20 =	simm.s32 $0x10F00;
	v4 =	vperm.xlane v4, v2  }
0x77: {  	[tilespmem:s20], [sflag:$0x2] =	stream.indirect_vreg.gather [hbm4b:s7+s3], $0x80, v5, vm0, $0xb8;
	[tilespmem:$0x1B700] =	vst v63  }
0x78: {  	s29 =	simm.s32 $0x11700;
	v4 =	vadd.s32 v1, v4  }
0x79: {  	[tilespmem:s29], [sflag:$0x2] =	stream.indirect_vreg.gather [hbm4b:s8+s3], $0x80, v5, vm0, $0xb8;
	[tilespmem:$0x1B700] =	vst v63  }
0x7a: {  	s5 =	simm.s32 $0x11F00  }
0x7b: {  	[tilespmem:s5], [sflag:$0x2] =	stream.indirect_vreg.gather [hbm4b:s9+s3], $0x80, v5, vm0, $0xb8;
	[tilespmem:$0x1B700] =	vst v63  }
0x7c: {  	_ = 	snop  }
0x7d: {  	[tilespmem:s14], [sflag:$0x2] =	stream.indirect_vreg.gather [hbm4b:s2+s3], $0x80, v4, vm0, $0xb8;
	[tilespmem:$0x1B700] =	vst v63  }
0x7e: {  	s11 =	simm.s32 $0x12F00  }
0x7f: {  	[tilespmem:s11], [sflag:$0x2] =	stream.indirect_vreg.gather [hbm4b:s7+s3], $0x80, v4, vm0, $0xb8;
	[tilespmem:$0x1B700] =	vst v63  }
0x80: {  	s17 =	simm.s32 $0x13700  }
0x81: {  	[tilespmem:s17], [sflag:$0x2] =	stream.indirect_vreg.gather [hbm4b:s8+s3], $0x80, v4, vm0, $0xb8;
	[tilespmem:$0x1B700] =	vst v63  }
0x82: {  	s20 =	simm.s32 $0x13F00  }
0x83: {  	[tilespmem:s20], [sflag:$0x2] =	stream.indirect_vreg.gather [hbm4b:s9+s3], $0x80, v4, vm0, $0xb8;
	[tilespmem:$0x1B700] =	vst v63  }
0x84: {  	v4 =	vld [tilespmem:$0x58];
	_ =	sdelay $0x4  }
0x85: {  	v5 =	vshll.u32 v4, $0x3  }
0x86: {  	v4 =	vand.u32 $0x7, v4;
	v5 =	vand.u32 $0xFFFFFFC0, v5  }
0x87: {  	v4 =	vor.u32 v4, v5  }
0x88: {  	v5 =	vperm.xlane v4, v0;
	_ =	sdelay $0x1  }
0x89: {  	v5 =	vadd.s32 v1, v5;
	_ =	sdelay $0x4  }
0x8a: {  	[tilespmem:s18], [sflag:$0x2] =	stream.indirect_vreg.gather [hbm4b:s2+s3], $0x80, v5, vm0, $0xb8;
	[tilespmem:$0x1B700] =	vst v63  }
0x8b: {  	s29 =	simm.s32 $0x14F00;
	v4 =	vperm.xlane v4, v2  }
0x8c: {  	[tilespmem:s29], [sflag:$0x2] =	stream.indirect_vreg.gather [hbm4b:s7+s3], $0x80, v5, vm0, $0xb8;
	[tilespmem:$0x1B700] =	vst v63  }
0x8d: {  	s5 =	simm.s32 $0x15700;
	v4 =	vadd.s32 v1, v4  }
0x8e: {  	[tilespmem:s5], [sflag:$0x2] =	stream.indirect_vreg.gather [hbm4b:s8+s3], $0x80, v5, vm0, $0xb8;
	[tilespmem:$0x1B700] =	vst v63  }
0x8f: {  	s11 =	simm.s32 $0x15F00  }
0x90: {  	[tilespmem:s11], [sflag:$0x2] =	stream.indirect_vreg.gather [hbm4b:s9+s3], $0x80, v5, vm0, $0xb8;
	[tilespmem:$0x1B700] =	vst v63  }
0x91: {  	_ = 	snop  }
0x92: {  	[tilespmem:s26], [sflag:$0x2] =	stream.indirect_vreg.gather [hbm4b:s2+s3], $0x80, v4, vm0, $0xb8;
	[tilespmem:$0x1B700] =	vst v63  }
0x93: {  	s17 =	simm.s32 $0x16F00  }
0x94: {  	[tilespmem:s17], [sflag:$0x2] =	stream.indirect_vreg.gather [hbm4b:s7+s3], $0x80, v4, vm0, $0xb8;
	[tilespmem:$0x1B700] =	vst v63  }
0x95: {  	s20 =	simm.s32 $0x17700  }
0x96: {  	[tilespmem:s20], [sflag:$0x2] =	stream.indirect_vreg.gather [hbm4b:s8+s3], $0x80, v4, vm0, $0xb8;
	[tilespmem:$0x1B700] =	vst v63  }
0x97: {  	s28 =	simm.s32 $0x0;
	s29 =	simm.s32 $0x17F00  }
0x98: {  	[tilespmem:s29], [sflag:$0x2] =	stream.indirect_vreg.gather [hbm4b:s9+s3], $0x80, v4, vm0, $0xb8;
	[tilespmem:$0x1B700] =	vst v63  }
.LBB2_2:
0x99: {  	s29 =	simm.s32 $0x0  }
0x9a: {  	s1 =	sand.u32 $0x7, s29  }
0x9b: {  	_ =	swait.ge [sflag:s0], $0xC000;
	s1 =	sshll.u32 s1, $0x7  }
0x9c: {  	[sflag:s0] =	ssyncset.done $0x0;
	s5 =	sadd.s32 $0x0, s1  }
0x9d: {  	[sflag:s0] =	ssyncadd.s32 $0xFFFF4000;
	s1 =	sor.u32 $0x1C00, s5  }
0x9e: {  	v4 =	vld [tilespmem:s1+$0x700];
	_ =	sdelay $0x3  }
0x9f: {  	s1 =	simm.s32 $0x18730  }
0xa0: {  	s11 =	sor.u32 $0x1C10, s5;
	[tilespmem:s1+$0xFFFFFFD0] =	vst v4  }
0xa1: {  	v4 =	vld [tilespmem:s11+$0x700];
	_ =	sdelay $0x4  }
0xa2: {  	s17 =	sor.u32 $0x1C20, s5;
	[tilespmem:s1+$0xFFFFFFE0] =	vst v4  }
0xa3: {  	v4 =	vld [tilespmem:s17+$0x700];
	_ =	sdelay $0x4  }
0xa4: {  	s20 =	sor.u32 $0x1C30, s5;
	[tilespmem:s1+$0xFFFFFFF0] =	vst v4  }
0xa5: {  	v4 =	vld [tilespmem:s20+$0x700];
	_ =	sdelay $0x4  }
0xa6: {  	s17 =	sor.u32 $0x1C40, s5;
	[tilespmem:s1+$0x0] =	vst v4  }
0xa7: {  	v4 =	vld [tilespmem:s17+$0x700];
	_ =	sdelay $0x4  }
0xa8: {  	s20 =	sor.u32 $0x1C50, s5;
	[tilespmem:s1+$0x10] =	vst v4  }
0xa9: {  	v4 =	vld [tilespmem:s20+$0x700];
	_ =	sdelay $0x4  }
0xaa: {  	s5 =	sor.u32 $0x1C60, s5;
	[tilespmem:s1+$0x20] =	vst v4  }
0xab: {  	v5 =	vld.msk [tilespmem:s5+$0x700], $0xff;
	_ =	sdelay $0x3  }
0xac: {  	s11 =	simm.s32 $0x1  }
0xad: {  	s20 =	simm.s32 $0x100;
	v4 =	vperm.xlane v4, v3;
	s5 =	sand.u32 $0x7, s11;
	v5 =	vperm.xlane v5, v3  }
.LBB2_3:
0xae: {  	p0 =	sne.s32 s20, $0x1780;
	s5 =	sshll.u32 s5, $0x7;
	s29 =	sadd.s32 $0x400, s29  }
0xaf: {  	s5 =	sadd.s32 s5, s29;
	v4 =	vsel vm1, v4, v5  }
0xb0: {  	s17 =	sor.u32 $0x1C00, s5;
	[tilespmem:s1+$0x28] =	vst v4  }
0xb1: {  	v4 =	vld [tilespmem:s17+$0x700];
	_ =	sdelay $0x3  }
0xb2: {  	s1 =	sadd.s32 $0x80, s1  }
0xb3: {  	s17 =	sor.u32 $0x1C10, s5;
	[tilespmem:s1+$0xFFFFFFD0] =	vst v4  }
0xb4: {  	v4 =	vld [tilespmem:s17+$0x700];
	_ =	sdelay $0x4  }
0xb5: {  	s17 =	sor.u32 $0x1C20, s5;
	[tilespmem:s1+$0xFFFFFFE0] =	vst v4  }
0xb6: {  	v4 =	vld [tilespmem:s17+$0x700];
	_ =	sdelay $0x4  }
0xb7: {  	s17 =	sor.u32 $0x1C30, s5;
	[tilespmem:s1+$0xFFFFFFF0] =	vst v4  }
0xb8: {  	v4 =	vld [tilespmem:s17+$0x700];
	_ =	sdelay $0x4  }
0xb9: {  	s17 =	sor.u32 $0x1C40, s5;
	[tilespmem:s1+$0x0] =	vst v4  }
0xba: {  	v4 =	vld [tilespmem:s17+$0x700];
	_ =	sdelay $0x4  }
0xbb: {  	s17 =	sor.u32 $0x1C50, s5;
	[tilespmem:s1+$0x10] =	vst v4  }
0xbc: {  	v4 =	vld [tilespmem:s17+$0x700];
	_ =	sdelay $0x4  }
0xbd: {  	s5 =	sor.u32 $0x1C60, s5;
	[tilespmem:s1+$0x20] =	vst v4;
	v4 =	vperm.xlane v4, v3  }
0xbe: {  	v5 =	vld.msk [tilespmem:s5+$0x700], $0xff  }
.Ltmp0:
0xbf: {  	(pc) =	sbr.rel @p0 .LBB2_3-.Ltmp0, $3  }
0xc0: {  	_ =	sdelay $0x1  }
0xc1: {  	s11 =	sadd.s32 $0x1, s11  }
0xc2: {  	s20 =	sadd.s32 $0x80, s20;
	s5 =	sand.u32 $0x7, s11;
	v5 =	vperm.xlane v5, v3  }
0xc3: {  	s5 =	sshll.u32 s5, $0x7;
	s11 =	sadd.s32 $0x400, s29  }
0xc4: {  	s5 =	sadd.s32 s5, s11;
	v4 =	vsel vm1, v4, v5  }
0xc5: {  	s11 =	sor.u32 $0x1C00, s5;
	[tilespmem:s1+$0x28] =	vst v4  }
0xc6: {  	v4 =	vld [tilespmem:s11+$0x700];
	_ =	sdelay $0x3  }
0xc7: {  	s1 =	sadd.s32 $0x80, s1  }
0xc8: {  	s20 =	sor.u32 $0x1C10, s5;
	[tilespmem:s1+$0xFFFFFFD0] =	vst v4  }
0xc9: {  	v4 =	vld [tilespmem:s20+$0x700];
	_ =	sdelay $0x4  }
0xca: {  	s17 =	sor.u32 $0x1C20, s5;
	[tilespmem:s1+$0xFFFFFFE0] =	vst v4  }
0xcb: {  	v4 =	vld [tilespmem:s17+$0x700];
	_ =	sdelay $0x4  }
0xcc: {  	s20 =	sor.u32 $0x1C30, s5;
	[tilespmem:s1+$0xFFFFFFF0] =	vst v4  }
0xcd: {  	v4 =	vld [tilespmem:s20+$0x700];
	_ =	sdelay $0x4  }
0xce: {  	s17 =	sor.u32 $0x1C40, s5;
	[tilespmem:s1+$0x0] =	vst v4  }
0xcf: {  	v4 =	vld [tilespmem:s17+$0x700];
	_ =	sdelay $0x4  }
0xd0: {  	s20 =	sor.u32 $0x1C50, s5;
	[tilespmem:s1+$0x10] =	vst v4  }
0xd1: {  	v4 =	vld [tilespmem:s20+$0x700];
	_ =	sdelay $0x4  }
0xd2: {  	s5 =	sor.u32 $0x1C60, s5;
	[tilespmem:s1+$0x20] =	vst v4  }
0xd3: {  	v5 =	vld.msk [tilespmem:s5+$0x700], $0xff;
	_ =	sdelay $0x3  }
0xd4: {  	s11 =	sshll.u32 s28, $0x1;
	s17 =	rddreg [dreg:$0x3]  }
0xd5: {  	v4 =	vperm.xlane v4, v3;
	s5 =	sor.u32 s17, s11;
	v5 =	vperm.xlane v5, v3  }
0xd6: {  	s29 =	smul.u32 $0x1C00, s5  }
0xd7: {  	v4 =	vsel vm1, v4, v5  }
0xd8: {  	s20 =	simm.s32 $0x700;
	s5 =	simm.s32 $0x0;
	[tilespmem:s1+$0x28] =	vst v4;
	s1 =	sadd.s32 s4, s29  }
0xd9: {  	[hbm4b:s1+s5] =	stream.linear.scatter [tilespmem:s20], [sflag:$0x3], $0x1C00, $0x38;
	[tilespmem:$0x1B700] =	vst v63  }
0xda: {  	s17 =	sadd.s32 $0x400, s1  }
0xdb: {  	[hbm4b:s17+s5] =	stream.linear.scatter [tilespmem:s21], [sflag:$0x3], $0x1C00, $0x38;
	[tilespmem:$0x1B700] =	vst v63  }
0xdc: {  	s20 =	sadd.s32 $0x800, s1  }
0xdd: {  	[hbm4b:s20+s5] =	stream.linear.scatter [tilespmem:s25], [sflag:$0x3], $0x1C00, $0x38;
	[tilespmem:$0x1B700] =	vst v63  }
0xde: {  	s17 =	sadd.s32 $0xC00, s1  }
0xdf: {  	[hbm4b:s17+s5] =	stream.linear.scatter [tilespmem:s30], [sflag:$0x3], $0x1C00, $0x38;
	[tilespmem:$0x1B700] =	vst v63  }
0xe0: {  	s20 =	sadd.s32 $0x1000, s1  }
0xe1: {  	[hbm4b:s20+s5] =	stream.linear.scatter [tilespmem:s6], [sflag:$0x3], $0x1C00, $0x38;
	[tilespmem:$0x1B700] =	vst v63  }
0xe2: {  	s1 =	sadd.s32 $0x1400, s1  }
0xe3: {  	[hbm4b:s1+s5] =	stream.linear.scatter [tilespmem:s16], [sflag:$0x3], $0x1C00, $0x38;
	[tilespmem:$0x1B700] =	vst v63  }
0xe4: {  	s17 =	sadd.s32 s29, s10;
	s20 =	simm.s32 $0x18700  }
0xe5: {  	[hbm4b:s17+s12] =	stream.strided.scatter [tilespmem:s20], [sflag:$0x3], $0x1800, s15, s12, $0x38;
	[tilespmem:$0x1B700] =	vst v63  }
0xe6: {  	_ =	swait.ge [sflag:s13], $0xC000  }
0xe7: {  	s17 =	sand.u32 $0xE000, s5;
	s5 =	sand.u32 $0x380, s5;
	[sflag:s13] =	ssyncset.done $0x0  }
0xe8: {  	s5 =	sor.u32 s5, s17;
	[sflag:s13] =	ssyncadd.s32 $0xFFFF4000  }
0xe9: {  	v4 =	vld [tilespmem:s5+$0xE300];
	_ =	sdelay $0x3  }
0xea: {  	s1 =	simm.s32 $0x19F58  }
0xeb: {  	[tilespmem:s1+$0xFFFFFFA8] =	vst v4  }
0xec: {  	v4 =	vld [tilespmem:s5+$0xE310];
	_ =	sdelay $0x4  }
0xed: {  	[tilespmem:s1+$0xFFFFFFB8] =	vst v4  }
0xee: {  	v4 =	vld [tilespmem:s5+$0xE320];
	_ =	sdelay $0x4  }
0xef: {  	[tilespmem:s1+$0xFFFFFFC8] =	vst v4  }
0xf0: {  	v4 =	vld [tilespmem:s5+$0xE330];
	_ =	sdelay $0x4  }
0xf1: {  	[tilespmem:s1+$0xFFFFFFD8] =	vst v4  }
0xf2: {  	v4 =	vld [tilespmem:s5+$0xE340];
	_ =	sdelay $0x4  }
0xf3: {  	[tilespmem:s1+$0xFFFFFFE8] =	vst v4  }
0xf4: {  	v4 =	vld [tilespmem:s5+$0xE350];
	_ =	sdelay $0x4  }
0xf5: {  	[tilespmem:s1+$0xFFFFFFF8] =	vst v4  }
0xf6: {  	v5 =	vld.msk [tilespmem:s5+$0xE360], $0xff;
	_ =	sdelay $0x4  }
0xf7: {  	v4 =	vperm.xlane v4, v3;
	v5 =	vperm.xlane v5, v3  }
0xf8: {  	s11 =	simm.s32 $0x80;
	s20 =	simm.s32 $0x400  }
0xf9: {  	s17 =	sand.u32 $0x380, s11;
	s5 =	sand.u32 $0xE000, s20;
	s20 =	simm.s32 $0x800;
	v4 =	vsel vm1, v4, v5  }
.LBB2_5:
0xfa: {  	p0 =	sne.s32 s20, $0xBC00;
	s5 =	sor.u32 s17, s5;
	[tilespmem:s1+$0x0] =	vst v4  }
0xfb: {  	v4 =	vld [tilespmem:s5+$0xE300];
	_ =	sdelay $0x3  }
0xfc: {  	s1 =	sadd.s32 $0x80, s1  }
0xfd: {  	[tilespmem:s1+$0xFFFFFFA8] =	vst v4  }
0xfe: {  	v4 =	vld [tilespmem:s5+$0xE310];
	_ =	sdelay $0x4  }
0xff: {  	[tilespmem:s1+$0xFFFFFFB8] =	vst v4  }
0x100: {  	v4 =	vld [tilespmem:s5+$0xE320];
	_ =	sdelay $0x4  }
0x101: {  	[tilespmem:s1+$0xFFFFFFC8] =	vst v4  }
0x102: {  	v4 =	vld [tilespmem:s5+$0xE330];
	_ =	sdelay $0x4  }
0x103: {  	[tilespmem:s1+$0xFFFFFFD8] =	vst v4  }
0x104: {  	v4 =	vld [tilespmem:s5+$0xE340];
	_ =	sdelay $0x4  }
0x105: {  	[tilespmem:s1+$0xFFFFFFE8] =	vst v4  }
0x106: {  	v4 =	vld [tilespmem:s5+$0xE350];
	_ =	sdelay $0x4  }
0x107: {  	[tilespmem:s1+$0xFFFFFFF8] =	vst v4;
	v4 =	vperm.xlane v4, v3  }
0x108: {  	v5 =	vld.msk [tilespmem:s5+$0xE360], $0xff;
	_ =	sdelay $0x2  }
.Ltmp1:
0x109: {  	(pc) =	sbr.rel @p0 .LBB2_5-.Ltmp1, $4  }
0x10a: {  	_ = 	snop  }
0x10b: {  	v5 =	vperm.xlane v5, v3  }
0x10c: {  	s11 =	sadd.s32 $0x80, s11  }
0x10d: {  	s17 =	sand.u32 $0x380, s11;
	s5 =	sand.u32 $0xE000, s20;
	s20 =	sadd.s32 $0x400, s20;
	v4 =	vsel vm1, v4, v5  }
0x10e: {  	s5 =	sor.u32 s17, s5;
	[tilespmem:s1+$0x0] =	vst v4  }
0x10f: {  	v4 =	vld [tilespmem:s5+$0xE300];
	_ =	sdelay $0x3  }
0x110: {  	s17 =	sadd.s32 $0x80, s1  }
0x111: {  	[tilespmem:s17+$0xFFFFFFA8] =	vst v4  }
0x112: {  	v4 =	vld [tilespmem:s5+$0xE310];
	_ =	sdelay $0x4  }
0x113: {  	[tilespmem:s17+$0xFFFFFFB8] =	vst v4  }
0x114: {  	v4 =	vld [tilespmem:s5+$0xE320];
	_ =	sdelay $0x4  }
0x115: {  	[tilespmem:s17+$0xFFFFFFC8] =	vst v4  }
0x116: {  	v4 =	vld [tilespmem:s5+$0xE330];
	_ =	sdelay $0x4  }
0x117: {  	[tilespmem:s17+$0xFFFFFFD8] =	vst v4  }
0x118: {  	v4 =	vld [tilespmem:s5+$0xE340];
	_ =	sdelay $0x4  }
0x119: {  	[tilespmem:s17+$0xFFFFFFE8] =	vst v4  }
0x11a: {  	v4 =	vld [tilespmem:s5+$0xE350];
	_ =	sdelay $0x4  }
0x11b: {  	[tilespmem:s17+$0xFFFFFFF8] =	vst v4  }
0x11c: {  	v5 =	vld.msk [tilespmem:s5+$0xE360], $0xff;
	_ =	sdelay $0x4  }
0x11d: {  	v4 =	vperm.xlane v4, v3;
	v5 =	vperm.xlane v5, v3;
	_ =	sdelay $0x1  }
0x11e: {  	s5 =	sadd.s32 $0x1C00, s29;
	v4 =	vsel vm1, v4, v5  }
0x11f: {  	s1 =	sadd.s32 s4, s5;
	[tilespmem:s17+$0x0] =	vst v4  }
0x120: {  	[hbm4b:s1+s3] =	stream.linear.scatter [tilespmem:s19], [sflag:$0x4], $0x1C00, $0x38;
	[tilespmem:$0x1B700] =	vst v63  }
0x121: {  	s11 =	sadd.s32 $0x400, s1  }
0x122: {  	[hbm4b:s11+s3] =	stream.linear.scatter [tilespmem:s24], [sflag:$0x4], $0x1C00, $0x38;
	[tilespmem:$0x1B700] =	vst v63  }
0x123: {  	s20 =	sadd.s32 $0x800, s1  }
0x124: {  	[hbm4b:s20+s3] =	stream.linear.scatter [tilespmem:s31], [sflag:$0x4], $0x1C00, $0x38;
	[tilespmem:$0x1B700] =	vst v63  }
0x125: {  	s29 =	sadd.s32 $0xC00, s1  }
0x126: {  	[hbm4b:s29+s3] =	stream.linear.scatter [tilespmem:s14], [sflag:$0x4], $0x1C00, $0x38;
	[tilespmem:$0x1B700] =	vst v63  }
0x127: {  	s17 =	sadd.s32 $0x1000, s1  }
0x128: {  	[hbm4b:s17+s3] =	stream.linear.scatter [tilespmem:s18], [sflag:$0x4], $0x1C00, $0x38;
	[tilespmem:$0x1B700] =	vst v63  }
0x129: {  	s1 =	sadd.s32 $0x1400, s1  }
0x12a: {  	[hbm4b:s1+s3] =	stream.linear.scatter [tilespmem:s26], [sflag:$0x4], $0x1C00, $0x38;
	[tilespmem:$0x1B700] =	vst v63  }
0x12b: {  	s20 =	sadd.s32 s5, s10;
	s29 =	simm.s32 $0x19F00  }
0x12c: {  	[hbm4b:s20+s12] =	stream.strided.scatter [tilespmem:s29], [sflag:$0x4], $0x1800, s15, s12, $0x38;
	[tilespmem:$0x1B700] =	vst v63  }
0x12d: {  	_ =	swait.ge [sflag:s22], $0xA800  }
0x12e: {  	[sflag:s22] =	ssyncset.done $0x0  }
0x12f: {  	[sflag:s22] =	ssyncadd.s32 $0xFFFF5800  }
0x130: {  	s5 =	smul.u32 $0x1C0, s28;
	_ =	swait.ge [sflag:s22], $0x1800  }
0x131: {  	[sflag:s22] =	ssyncset.done $0x0  }
0x132: {  	s1 =	sshra.s32 s5, $0x2;
	[sflag:s22] =	ssyncadd.s32 $0xFFFFE800  }
0x133: {  	v4 =	vld [tilespmem:s1+$0x70];
	_ =	sdelay $0x4  }
0x134: {  	v5 =	vshll.u32 v4, $0x3  }
0x135: {  	v4 =	vand.u32 $0x7, v4;
	v5 =	vand.u32 $0xFFFFFFC0, v5  }
0x136: {  	v4 =	vor.u32 v4, v5  }
0x137: {  	v5 =	vperm.xlane v4, v0;
	_ =	sdelay $0x1  }
0x138: {  	v5 =	vadd.s32 v1, v5;
	_ =	sdelay $0x3  }
0x139: {  	s11 =	simm.s32 $0x700  }
0x13a: {  	[tilespmem:s11], [sflag:$0x1] =	stream.indirect_vreg.gather [hbm4b:s2+s3], $0x80, v5, vm0, $0xb8;
	[tilespmem:$0x1B700] =	vst v63  }
0x13b: {  	s17 =	simm.s32 $0xF00;
	v4 =	vperm.xlane v4, v2  }
0x13c: {  	[tilespmem:s17], [sflag:$0x1] =	stream.indirect_vreg.gather [hbm4b:s7+s3], $0x80, v5, vm0, $0xb8;
	[tilespmem:$0x1B700] =	vst v63  }
0x13d: {  	s20 =	simm.s32 $0x1700;
	v4 =	vadd.s32 v1, v4  }
0x13e: {  	[tilespmem:s20], [sflag:$0x1] =	stream.indirect_vreg.gather [hbm4b:s8+s3], $0x80, v5, vm0, $0xb8;
	[tilespmem:$0x1B700] =	vst v63  }
0x13f: {  	s29 =	simm.s32 $0x1F00  }
0x140: {  	[tilespmem:s29], [sflag:$0x1] =	stream.indirect_vreg.gather [hbm4b:s9+s3], $0x80, v5, vm0, $0xb8;
	[tilespmem:$0x1B700] =	vst v63  }
0x141: {  	_ = 	snop  }
0x142: {  	[tilespmem:s21], [sflag:$0x1] =	stream.indirect_vreg.gather [hbm4b:s2+s3], $0x80, v4, vm0, $0xb8;
	[tilespmem:$0x1B700] =	vst v63  }
0x143: {  	s11 =	simm.s32 $0x2F00  }
0x144: {  	[tilespmem:s11], [sflag:$0x1] =	stream.indirect_vreg.gather [hbm4b:s7+s3], $0x80, v4, vm0, $0xb8;
	[tilespmem:$0x1B700] =	vst v63  }
0x145: {  	s17 =	simm.s32 $0x3700  }
0x146: {  	[tilespmem:s17], [sflag:$0x1] =	stream.indirect_vreg.gather [hbm4b:s8+s3], $0x80, v4, vm0, $0xb8;
	[tilespmem:$0x1B700] =	vst v63  }
0x147: {  	s20 =	simm.s32 $0x3F00  }
0x148: {  	[tilespmem:s20], [sflag:$0x1] =	stream.indirect_vreg.gather [hbm4b:s9+s3], $0x80, v4, vm0, $0xb8;
	[tilespmem:$0x1B700] =	vst v63  }
0x149: {  	v4 =	vld [tilespmem:s1+$0x80];
	_ =	sdelay $0x4  }
0x14a: {  	v5 =	vshll.u32 v4, $0x3  }
0x14b: {  	v4 =	vand.u32 $0x7, v4;
	v5 =	vand.u32 $0xFFFFFFC0, v5  }
0x14c: {  	v4 =	vor.u32 v4, v5  }
0x14d: {  	v5 =	vperm.xlane v4, v0;
	_ =	sdelay $0x1  }
0x14e: {  	v5 =	vadd.s32 v1, v5;
	_ =	sdelay $0x4  }
0x14f: {  	[tilespmem:s25], [sflag:$0x1] =	stream.indirect_vreg.gather [hbm4b:s2+s3], $0x80, v5, vm0, $0xb8;
	[tilespmem:$0x1B700] =	vst v63  }
0x150: {  	s29 =	simm.s32 $0x4F00;
	v4 =	vperm.xlane v4, v2  }
0x151: {  	[tilespmem:s29], [sflag:$0x1] =	stream.indirect_vreg.gather [hbm4b:s7+s3], $0x80, v5, vm0, $0xb8;
	[tilespmem:$0x1B700] =	vst v63  }
0x152: {  	s11 =	simm.s32 $0x5700;
	v4 =	vadd.s32 v1, v4  }
0x153: {  	[tilespmem:s11], [sflag:$0x1] =	stream.indirect_vreg.gather [hbm4b:s8+s3], $0x80, v5, vm0, $0xb8;
	[tilespmem:$0x1B700] =	vst v63  }
0x154: {  	s17 =	simm.s32 $0x5F00  }
0x155: {  	[tilespmem:s17], [sflag:$0x1] =	stream.indirect_vreg.gather [hbm4b:s9+s3], $0x80, v5, vm0, $0xb8;
	[tilespmem:$0x1B700] =	vst v63  }
0x156: {  	_ = 	snop  }
0x157: {  	[tilespmem:s30], [sflag:$0x1] =	stream.indirect_vreg.gather [hbm4b:s2+s3], $0x80, v4, vm0, $0xb8;
	[tilespmem:$0x1B700] =	vst v63  }
0x158: {  	s20 =	simm.s32 $0x6F00  }
0x159: {  	[tilespmem:s20], [sflag:$0x1] =	stream.indirect_vreg.gather [hbm4b:s7+s3], $0x80, v4, vm0, $0xb8;
	[tilespmem:$0x1B700] =	vst v63  }
0x15a: {  	s29 =	simm.s32 $0x7700  }
0x15b: {  	[tilespmem:s29], [sflag:$0x1] =	stream.indirect_vreg.gather [hbm4b:s8+s3], $0x80, v4, vm0, $0xb8;
	[tilespmem:$0x1B700] =	vst v63  }
0x15c: {  	s11 =	simm.s32 $0x7F00  }
0x15d: {  	[tilespmem:s11], [sflag:$0x1] =	stream.indirect_vreg.gather [hbm4b:s9+s3], $0x80, v4, vm0, $0xb8;
	[tilespmem:$0x1B700] =	vst v63  }
0x15e: {  	v4 =	vld [tilespmem:s1+$0x90];
	_ =	sdelay $0x4  }
0x15f: {  	v5 =	vshll.u32 v4, $0x3  }
0x160: {  	v4 =	vand.u32 $0x7, v4;
	v5 =	vand.u32 $0xFFFFFFC0, v5  }
0x161: {  	v4 =	vor.u32 v4, v5  }
0x162: {  	v5 =	vperm.xlane v4, v0;
	_ =	sdelay $0x1  }
0x163: {  	v5 =	vadd.s32 v1, v5;
	_ =	sdelay $0x4  }
0x164: {  	[tilespmem:s6], [sflag:$0x1] =	stream.indirect_vreg.gather [hbm4b:s2+s3], $0x80, v5, vm0, $0xb8;
	[tilespmem:$0x1B700] =	vst v63  }
0x165: {  	s17 =	simm.s32 $0x8F00;
	v4 =	vperm.xlane v4, v2  }
0x166: {  	[tilespmem:s17], [sflag:$0x1] =	stream.indirect_vreg.gather [hbm4b:s7+s3], $0x80, v5, vm0, $0xb8;
	[tilespmem:$0x1B700] =	vst v63  }
0x167: {  	s20 =	simm.s32 $0x9700;
	v4 =	vadd.s32 v1, v4  }
0x168: {  	[tilespmem:s20], [sflag:$0x1] =	stream.indirect_vreg.gather [hbm4b:s8+s3], $0x80, v5, vm0, $0xb8;
	[tilespmem:$0x1B700] =	vst v63  }
0x169: {  	s29 =	simm.s32 $0x9F00  }
0x16a: {  	[tilespmem:s29], [sflag:$0x1] =	stream.indirect_vreg.gather [hbm4b:s9+s3], $0x80, v5, vm0, $0xb8;
	[tilespmem:$0x1B700] =	vst v63  }
0x16b: {  	_ = 	snop  }
0x16c: {  	[tilespmem:s16], [sflag:$0x1] =	stream.indirect_vreg.gather [hbm4b:s2+s3], $0x80, v4, vm0, $0xb8;
	[tilespmem:$0x1B700] =	vst v63  }
0x16d: {  	s11 =	simm.s32 $0xAF00  }
0x16e: {  	[tilespmem:s11], [sflag:$0x1] =	stream.indirect_vreg.gather [hbm4b:s7+s3], $0x80, v4, vm0, $0xb8;
	[tilespmem:$0x1B700] =	vst v63  }
0x16f: {  	s17 =	simm.s32 $0xB700  }
0x170: {  	[tilespmem:s17], [sflag:$0x1] =	stream.indirect_vreg.gather [hbm4b:s8+s3], $0x80, v4, vm0, $0xb8;
	[tilespmem:$0x1B700] =	vst v63  }
0x171: {  	s20 =	simm.s32 $0xBF00  }
0x172: {  	[tilespmem:s20], [sflag:$0x1] =	stream.indirect_vreg.gather [hbm4b:s9+s3], $0x80, v4, vm0, $0xb8;
	[tilespmem:$0x1B700] =	vst v63  }
0x173: {  	_ =	swait.ge [sflag:s23], $0xA800  }
0x174: {  	[sflag:s23] =	ssyncset.done $0x0  }
0x175: {  	[sflag:s23] =	ssyncadd.s32 $0xFFFF5800  }
0x176: {  	_ =	swait.ge [sflag:s23], $0x1800  }
0x177: {  	[sflag:s23] =	ssyncset.done $0x0  }
0x178: {  	[sflag:s23] =	ssyncadd.s32 $0xFFFFE800  }
0x179: {  	v4 =	vld [tilespmem:s1+$0xA8];
	_ =	sdelay $0x4  }
0x17a: {  	v5 =	vshll.u32 v4, $0x3  }
0x17b: {  	v4 =	vand.u32 $0x7, v4;
	v5 =	vand.u32 $0xFFFFFFC0, v5  }
0x17c: {  	v4 =	vor.u32 v4, v5  }
0x17d: {  	v5 =	vperm.xlane v4, v0;
	_ =	sdelay $0x1  }
0x17e: {  	v5 =	vadd.s32 v1, v5;
	_ =	sdelay $0x4  }
0x17f: {  	[tilespmem:s19], [sflag:$0x2] =	stream.indirect_vreg.gather [hbm4b:s2+s3], $0x80, v5, vm0, $0xb8;
	[tilespmem:$0x1B700] =	vst v63  }
0x180: {  	s29 =	simm.s32 $0xCF00;
	v4 =	vperm.xlane v4, v2  }
0x181: {  	[tilespmem:s29], [sflag:$0x2] =	stream.indirect_vreg.gather [hbm4b:s7+s3], $0x80, v5, vm0, $0xb8;
	[tilespmem:$0x1B700] =	vst v63  }
0x182: {  	s11 =	simm.s32 $0xD700;
	v4 =	vadd.s32 v1, v4  }
0x183: {  	[tilespmem:s11], [sflag:$0x2] =	stream.indirect_vreg.gather [hbm4b:s8+s3], $0x80, v5, vm0, $0xb8;
	[tilespmem:$0x1B700] =	vst v63  }
0x184: {  	s17 =	simm.s32 $0xDF00  }
0x185: {  	[tilespmem:s17], [sflag:$0x2] =	stream.indirect_vreg.gather [hbm4b:s9+s3], $0x80, v5, vm0, $0xb8;
	[tilespmem:$0x1B700] =	vst v63  }
0x186: {  	_ = 	snop  }
0x187: {  	[tilespmem:s24], [sflag:$0x2] =	stream.indirect_vreg.gather [hbm4b:s2+s3], $0x80, v4, vm0, $0xb8;
	[tilespmem:$0x1B700] =	vst v63  }
0x188: {  	s20 =	simm.s32 $0xEF00  }
0x189: {  	[tilespmem:s20], [sflag:$0x2] =	stream.indirect_vreg.gather [hbm4b:s7+s3], $0x80, v4, vm0, $0xb8;
	[tilespmem:$0x1B700] =	vst v63  }
0x18a: {  	s29 =	simm.s32 $0xF700  }
0x18b: {  	[tilespmem:s29], [sflag:$0x2] =	stream.indirect_vreg.gather [hbm4b:s8+s3], $0x80, v4, vm0, $0xb8;
	[tilespmem:$0x1B700] =	vst v63  }
0x18c: {  	s11 =	simm.s32 $0xFF00  }
0x18d: {  	[tilespmem:s11], [sflag:$0x2] =	stream.indirect_vreg.gather [hbm4b:s9+s3], $0x80, v4, vm0, $0xb8;
	[tilespmem:$0x1B700] =	vst v63  }
0x18e: {  	v4 =	vld [tilespmem:s1+$0xB8];
	_ =	sdelay $0x4  }
0x18f: {  	v5 =	vshll.u32 v4, $0x3  }
0x190: {  	v4 =	vand.u32 $0x7, v4;
	v5 =	vand.u32 $0xFFFFFFC0, v5  }
0x191: {  	v4 =	vor.u32 v4, v5  }
0x192: {  	v5 =	vperm.xlane v4, v0;
	_ =	sdelay $0x1  }
0x193: {  	v5 =	vadd.s32 v1, v5;
	_ =	sdelay $0x4  }
0x194: {  	[tilespmem:s31], [sflag:$0x2] =	stream.indirect_vreg.gather [hbm4b:s2+s3], $0x80, v5, vm0, $0xb8;
	[tilespmem:$0x1B700] =	vst v63  }
0x195: {  	s17 =	simm.s32 $0x10F00;
	v4 =	vperm.xlane v4, v2  }
0x196: {  	[tilespmem:s17], [sflag:$0x2] =	stream.indirect_vreg.gather [hbm4b:s7+s3], $0x80, v5, vm0, $0xb8;
	[tilespmem:$0x1B700] =	vst v63  }
0x197: {  	s20 =	simm.s32 $0x11700;
	v4 =	vadd.s32 v1, v4  }
0x198: {  	[tilespmem:s20], [sflag:$0x2] =	stream.indirect_vreg.gather [hbm4b:s8+s3], $0x80, v5, vm0, $0xb8;
	[tilespmem:$0x1B700] =	vst v63  }
0x199: {  	s29 =	simm.s32 $0x11F00  }
0x19a: {  	[tilespmem:s29], [sflag:$0x2] =	stream.indirect_vreg.gather [hbm4b:s9+s3], $0x80, v5, vm0, $0xb8;
	[tilespmem:$0x1B700] =	vst v63  }
0x19b: {  	_ = 	snop  }
0x19c: {  	[tilespmem:s14], [sflag:$0x2] =	stream.indirect_vreg.gather [hbm4b:s2+s3], $0x80, v4, vm0, $0xb8;
	[tilespmem:$0x1B700] =	vst v63  }
0x19d: {  	s11 =	simm.s32 $0x12F00  }
0x19e: {  	[tilespmem:s11], [sflag:$0x2] =	stream.indirect_vreg.gather [hbm4b:s7+s3], $0x80, v4, vm0, $0xb8;
	[tilespmem:$0x1B700] =	vst v63  }
0x19f: {  	s17 =	simm.s32 $0x13700  }
0x1a0: {  	[tilespmem:s17], [sflag:$0x2] =	stream.indirect_vreg.gather [hbm4b:s8+s3], $0x80, v4, vm0, $0xb8;
	[tilespmem:$0x1B700] =	vst v63  }
0x1a1: {  	s20 =	simm.s32 $0x13F00  }
0x1a2: {  	[tilespmem:s20], [sflag:$0x2] =	stream.indirect_vreg.gather [hbm4b:s9+s3], $0x80, v4, vm0, $0xb8;
	[tilespmem:$0x1B700] =	vst v63  }
0x1a3: {  	v4 =	vld [tilespmem:s1+$0xC8];
	_ =	sdelay $0x4  }
0x1a4: {  	v5 =	vshll.u32 v4, $0x3  }
0x1a5: {  	v4 =	vand.u32 $0x7, v4;
	v5 =	vand.u32 $0xFFFFFFC0, v5  }
0x1a6: {  	v4 =	vor.u32 v4, v5  }
0x1a7: {  	v5 =	vperm.xlane v4, v0;
	_ =	sdelay $0x1  }
0x1a8: {  	v5 =	vadd.s32 v1, v5;
	_ =	sdelay $0x4  }
0x1a9: {  	[tilespmem:s18], [sflag:$0x2] =	stream.indirect_vreg.gather [hbm4b:s2+s3], $0x80, v5, vm0, $0xb8;
	[tilespmem:$0x1B700] =	vst v63  }
0x1aa: {  	s29 =	simm.s32 $0x14F00;
	v4 =	vperm.xlane v4, v2  }
0x1ab: {  	[tilespmem:s29], [sflag:$0x2] =	stream.indirect_vreg.gather [hbm4b:s7+s3], $0x80, v5, vm0, $0xb8;
	[tilespmem:$0x1B700] =	vst v63  }
0x1ac: {  	s5 =	simm.s32 $0x15700;
	v4 =	vadd.s32 v1, v4  }
0x1ad: {  	[tilespmem:s5], [sflag:$0x2] =	stream.indirect_vreg.gather [hbm4b:s8+s3], $0x80, v5, vm0, $0xb8;
	[tilespmem:$0x1B700] =	vst v63  }
0x1ae: {  	s11 =	simm.s32 $0x15F00  }
0x1af: {  	[tilespmem:s11], [sflag:$0x2] =	stream.indirect_vreg.gather [hbm4b:s9+s3], $0x80, v5, vm0, $0xb8;
	[tilespmem:$0x1B700] =	vst v63  }
0x1b0: {  	s28 =	sadd.s32 $0x1, s28  }
0x1b1: {  	[tilespmem:s26], [sflag:$0x2] =	stream.indirect_vreg.gather [hbm4b:s2+s3], $0x80, v4, vm0, $0xb8;
	[tilespmem:$0x1B700] =	vst v63  }
0x1b2: {  	p0 =	sne.s32 s28, $0xF;
	s17 =	simm.s32 $0x16F00  }
0x1b3: {  	[tilespmem:s17], [sflag:$0x2] =	stream.indirect_vreg.gather [hbm4b:s7+s3], $0x80, v4, vm0, $0xb8;
	[tilespmem:$0x1B700] =	vst v63  }
.Ltmp2:
0x1b4: {  	_ = 	snop;
	(pc) =	sbr.rel @p0 .LBB2_2-.Ltmp2, $4  }
0x1b5: {  	s20 =	simm.s32 $0x17700  }
0x1b6: {  	[tilespmem:s20], [sflag:$0x2] =	stream.indirect_vreg.gather [hbm4b:s8+s3], $0x80, v4, vm0, $0xb8;
	[tilespmem:$0x1B700] =	vst v63  }
0x1b7: {  	s29 =	simm.s32 $0x17F00  }
0x1b8: {  	[tilespmem:s29], [sflag:$0x2] =	stream.indirect_vreg.gather [hbm4b:s9+s3], $0x80, v4, vm0, $0xb8;
	[tilespmem:$0x1B700] =	vst v63  }
0x1b9: {  	s28 =	simm.s32 $0x0  }
0x1ba: {  	s1 =	sand.u32 $0x7, s28  }
0x1bb: {  	_ =	swait.ge [sflag:s0], $0xC000;
	s1 =	sshll.u32 s1, $0x7  }
0x1bc: {  	[sflag:s0] =	ssyncset.done $0x0;
	s5 =	sadd.s32 $0x0, s1  }
0x1bd: {  	[sflag:s0] =	ssyncadd.s32 $0xFFFF4000;
	s1 =	sor.u32 $0x1C00, s5  }
0x1be: {  	v4 =	vld [tilespmem:s1+$0x700];
	_ =	sdelay $0x3  }
0x1bf: {  	s1 =	simm.s32 $0x18730  }
0x1c0: {  	s11 =	sor.u32 $0x1C10, s5;
	[tilespmem:s1+$0xFFFFFFD0] =	vst v4  }
0x1c1: {  	v4 =	vld [tilespmem:s11+$0x700];
	_ =	sdelay $0x4  }
0x1c2: {  	s29 =	sor.u32 $0x1C20, s5;
	[tilespmem:s1+$0xFFFFFFE0] =	vst v4  }
0x1c3: {  	v4 =	vld [tilespmem:s29+$0x700];
	_ =	sdelay $0x4  }
0x1c4: {  	s17 =	sor.u32 $0x1C30, s5;
	[tilespmem:s1+$0xFFFFFFF0] =	vst v4  }
0x1c5: {  	v4 =	vld [tilespmem:s17+$0x700];
	_ =	sdelay $0x4  }
0x1c6: {  	s20 =	sor.u32 $0x1C40, s5;
	[tilespmem:s1+$0x0] =	vst v4  }
0x1c7: {  	v4 =	vld [tilespmem:s20+$0x700];
	_ =	sdelay $0x4  }
0x1c8: {  	s29 =	sor.u32 $0x1C50, s5;
	[tilespmem:s1+$0x10] =	vst v4  }
0x1c9: {  	v4 =	vld [tilespmem:s29+$0x700];
	_ =	sdelay $0x4  }
0x1ca: {  	s5 =	sor.u32 $0x1C60, s5;
	[tilespmem:s1+$0x20] =	vst v4  }
0x1cb: {  	v5 =	vld.msk [tilespmem:s5+$0x700], $0xff;
	_ =	sdelay $0x3  }
0x1cc: {  	s11 =	simm.s32 $0x1  }
0x1cd: {  	s20 =	simm.s32 $0x100;
	v4 =	vperm.xlane v4, v3;
	s5 =	sand.u32 $0x7, s11;
	v5 =	vperm.xlane v5, v3  }
.LBB2_8:
0x1ce: {  	p0 =	sne.s32 s20, $0x1780;
	s5 =	sshll.u32 s5, $0x7;
	s28 =	sadd.s32 $0x400, s28  }
0x1cf: {  	s5 =	sadd.s32 s5, s28;
	v4 =	vsel vm1, v4, v5  }
0x1d0: {  	s17 =	sor.u32 $0x1C00, s5;
	[tilespmem:s1+$0x28] =	vst v4  }
0x1d1: {  	v4 =	vld [tilespmem:s17+$0x700];
	_ =	sdelay $0x3  }
0x1d2: {  	s1 =	sadd.s32 $0x80, s1  }
0x1d3: {  	s17 =	sor.u32 $0x1C10, s5;
	[tilespmem:s1+$0xFFFFFFD0] =	vst v4  }
0x1d4: {  	v4 =	vld [tilespmem:s17+$0x700];
	_ =	sdelay $0x4  }
0x1d5: {  	s17 =	sor.u32 $0x1C20, s5;
	[tilespmem:s1+$0xFFFFFFE0] =	vst v4  }
0x1d6: {  	v4 =	vld [tilespmem:s17+$0x700];
	_ =	sdelay $0x4  }
0x1d7: {  	s17 =	sor.u32 $0x1C30, s5;
	[tilespmem:s1+$0xFFFFFFF0] =	vst v4  }
0x1d8: {  	v4 =	vld [tilespmem:s17+$0x700];
	_ =	sdelay $0x4  }
0x1d9: {  	s17 =	sor.u32 $0x1C40, s5;
	[tilespmem:s1+$0x0] =	vst v4  }
0x1da: {  	v4 =	vld [tilespmem:s17+$0x700];
	_ =	sdelay $0x4  }
0x1db: {  	s17 =	sor.u32 $0x1C50, s5;
	[tilespmem:s1+$0x10] =	vst v4  }
0x1dc: {  	v4 =	vld [tilespmem:s17+$0x700];
	_ =	sdelay $0x4  }
0x1dd: {  	s5 =	sor.u32 $0x1C60, s5;
	[tilespmem:s1+$0x20] =	vst v4;
	v4 =	vperm.xlane v4, v3  }
0x1de: {  	v5 =	vld.msk [tilespmem:s5+$0x700], $0xff  }
.Ltmp3:
0x1df: {  	(pc) =	sbr.rel @p0 .LBB2_8-.Ltmp3, $3  }
0x1e0: {  	_ =	sdelay $0x1  }
0x1e1: {  	s11 =	sadd.s32 $0x1, s11  }
0x1e2: {  	s20 =	sadd.s32 $0x80, s20;
	s5 =	sand.u32 $0x7, s11;
	v5 =	vperm.xlane v5, v3  }
0x1e3: {  	s5 =	sshll.u32 s5, $0x7;
	s11 =	sadd.s32 $0x400, s28  }
0x1e4: {  	s5 =	sadd.s32 s5, s11;
	v4 =	vsel vm1, v4, v5  }
0x1e5: {  	s11 =	sor.u32 $0x1C00, s5;
	[tilespmem:s1+$0x28] =	vst v4  }
0x1e6: {  	v4 =	vld [tilespmem:s11+$0x700];
	_ =	sdelay $0x3  }
0x1e7: {  	s1 =	sadd.s32 $0x80, s1  }
0x1e8: {  	s28 =	sor.u32 $0x1C10, s5;
	[tilespmem:s1+$0xFFFFFFD0] =	vst v4  }
0x1e9: {  	v4 =	vld [tilespmem:s28+$0x700];
	_ =	sdelay $0x4  }
0x1ea: {  	s29 =	sor.u32 $0x1C20, s5;
	[tilespmem:s1+$0xFFFFFFE0] =	vst v4  }
0x1eb: {  	v4 =	vld [tilespmem:s29+$0x700];
	_ =	sdelay $0x4  }
0x1ec: {  	s17 =	sor.u32 $0x1C30, s5;
	[tilespmem:s1+$0xFFFFFFF0] =	vst v4  }
0x1ed: {  	v4 =	vld [tilespmem:s17+$0x700];
	_ =	sdelay $0x4  }
0x1ee: {  	s20 =	sor.u32 $0x1C40, s5;
	[tilespmem:s1+$0x0] =	vst v4  }
0x1ef: {  	v4 =	vld [tilespmem:s20+$0x700];
	_ =	sdelay $0x4  }
0x1f0: {  	s28 =	sor.u32 $0x1C50, s5;
	[tilespmem:s1+$0x10] =	vst v4  }
0x1f1: {  	v4 =	vld [tilespmem:s28+$0x700];
	_ =	sdelay $0x4  }
0x1f2: {  	s5 =	sor.u32 $0x1C60, s5;
	[tilespmem:s1+$0x20] =	vst v4  }
0x1f3: {  	v5 =	vld.msk [tilespmem:s5+$0x700], $0xff;
	_ =	sdelay $0x4  }
0x1f4: {  	v4 =	vperm.xlane v4, v3;
	v5 =	vperm.xlane v5, v3;
	_ =	sdelay $0x1  }
0x1f5: {  	v4 =	vsel vm1, v4, v5  }
0x1f6: {  	s11 =	rddreg [dreg:$0x5];
	s29 =	simm.s32 $0x700;
	[tilespmem:s1+$0x28] =	vst v4;
	s1 =	simm.s32 $0x0  }
0x1f7: {  	[hbm4b:s11+s1] =	stream.linear.scatter [tilespmem:s29], [sflag:$0x3], $0x1C00, $0x38;
	[tilespmem:$0x1B700] =	vst v63  }
0x1f8: {  	s17 =	sadd.s32 $0x400, s11  }
0x1f9: {  	[hbm4b:s17+s1] =	stream.linear.scatter [tilespmem:s21], [sflag:$0x3], $0x1C00, $0x38;
	[tilespmem:$0x1B700] =	vst v63  }
0x1fa: {  	s20 =	sadd.s32 $0x800, s11  }
0x1fb: {  	[hbm4b:s20+s1] =	stream.linear.scatter [tilespmem:s25], [sflag:$0x3], $0x1C00, $0x38;
	[tilespmem:$0x1B700] =	vst v63  }
0x1fc: {  	s28 =	sadd.s32 $0xC00, s11  }
0x1fd: {  	[hbm4b:s28+s1] =	stream.linear.scatter [tilespmem:s30], [sflag:$0x3], $0x1C00, $0x38;
	[tilespmem:$0x1B700] =	vst v63  }
0x1fe: {  	s29 =	sadd.s32 $0x1000, s11  }
0x1ff: {  	[hbm4b:s29+s1] =	stream.linear.scatter [tilespmem:s6], [sflag:$0x3], $0x1C00, $0x38;
	[tilespmem:$0x1B700] =	vst v63  }
0x200: {  	s11 =	sadd.s32 $0x1400, s11  }
0x201: {  	[hbm4b:s11+s1] =	stream.linear.scatter [tilespmem:s16], [sflag:$0x3], $0x1C00, $0x38;
	[tilespmem:$0x1B700] =	vst v63  }
0x202: {  	s17 =	rddreg [dreg:$0x6];
	s20 =	simm.s32 $0x18700  }
0x203: {  	[hbm4b:s17+s12] =	stream.strided.scatter [tilespmem:s20], [sflag:$0x3], $0x1800, s15, s12, $0x38;
	[tilespmem:$0x1B700] =	vst v63  }
0x204: {  	_ =	swait.ge [sflag:s13], $0xC000  }
0x205: {  	s28 =	sand.u32 $0xE000, s1;
	s1 =	sand.u32 $0x380, s1;
	[sflag:s13] =	ssyncset.done $0x0  }
0x206: {  	s5 =	sor.u32 s1, s28;
	[sflag:s13] =	ssyncadd.s32 $0xFFFF4000  }
0x207: {  	v4 =	vld [tilespmem:s5+$0xE300];
	_ =	sdelay $0x3  }
0x208: {  	s1 =	simm.s32 $0x19F58  }
0x209: {  	[tilespmem:s1+$0xFFFFFFA8] =	vst v4  }
0x20a: {  	v4 =	vld [tilespmem:s5+$0xE310];
	_ =	sdelay $0x4  }
0x20b: {  	[tilespmem:s1+$0xFFFFFFB8] =	vst v4  }
0x20c: {  	v4 =	vld [tilespmem:s5+$0xE320];
	_ =	sdelay $0x4  }
0x20d: {  	[tilespmem:s1+$0xFFFFFFC8] =	vst v4  }
0x20e: {  	v4 =	vld [tilespmem:s5+$0xE330];
	_ =	sdelay $0x4  }
0x20f: {  	[tilespmem:s1+$0xFFFFFFD8] =	vst v4  }
0x210: {  	v4 =	vld [tilespmem:s5+$0xE340];
	_ =	sdelay $0x4  }
0x211: {  	[tilespmem:s1+$0xFFFFFFE8] =	vst v4  }
0x212: {  	v4 =	vld [tilespmem:s5+$0xE350];
	_ =	sdelay $0x4  }
0x213: {  	[tilespmem:s1+$0xFFFFFFF8] =	vst v4  }
0x214: {  	v5 =	vld.msk [tilespmem:s5+$0xE360], $0xff;
	_ =	sdelay $0x4  }
0x215: {  	v4 =	vperm.xlane v4, v3;
	v5 =	vperm.xlane v5, v3  }
0x216: {  	s29 =	simm.s32 $0x400;
	s11 =	simm.s32 $0x80  }
0x217: {  	s17 =	sand.u32 $0x380, s11;
	s20 =	simm.s32 $0x800;
	s5 =	sand.u32 $0xE000, s29;
	v4 =	vsel vm1, v4, v5  }
.LBB2_10:
0x218: {  	p0 =	sne.s32 s20, $0xBC00;
	s5 =	sor.u32 s17, s5;
	[tilespmem:s1+$0x0] =	vst v4  }
0x219: {  	v4 =	vld [tilespmem:s5+$0xE300];
	_ =	sdelay $0x3  }
0x21a: {  	s1 =	sadd.s32 $0x80, s1  }
0x21b: {  	[tilespmem:s1+$0xFFFFFFA8] =	vst v4  }
0x21c: {  	v4 =	vld [tilespmem:s5+$0xE310];
	_ =	sdelay $0x4  }
0x21d: {  	[tilespmem:s1+$0xFFFFFFB8] =	vst v4  }
0x21e: {  	v4 =	vld [tilespmem:s5+$0xE320];
	_ =	sdelay $0x4  }
0x21f: {  	[tilespmem:s1+$0xFFFFFFC8] =	vst v4  }
0x220: {  	v4 =	vld [tilespmem:s5+$0xE330];
	_ =	sdelay $0x4  }
0x221: {  	[tilespmem:s1+$0xFFFFFFD8] =	vst v4  }
0x222: {  	v4 =	vld [tilespmem:s5+$0xE340];
	_ =	sdelay $0x4  }
0x223: {  	[tilespmem:s1+$0xFFFFFFE8] =	vst v4  }
0x224: {  	v4 =	vld [tilespmem:s5+$0xE350];
	_ =	sdelay $0x4  }
0x225: {  	[tilespmem:s1+$0xFFFFFFF8] =	vst v4;
	v4 =	vperm.xlane v4, v3  }
0x226: {  	v5 =	vld.msk [tilespmem:s5+$0xE360], $0xff;
	_ =	sdelay $0x2  }
.Ltmp4:
0x227: {  	(pc) =	sbr.rel @p0 .LBB2_10-.Ltmp4, $4  }
0x228: {  	_ = 	snop  }
0x229: {  	v5 =	vperm.xlane v5, v3  }
0x22a: {  	s11 =	sadd.s32 $0x80, s11  }
0x22b: {  	s17 =	sand.u32 $0x380, s11;
	s5 =	sand.u32 $0xE000, s20;
	s20 =	sadd.s32 $0x400, s20;
	v4 =	vsel vm1, v4, v5  }
0x22c: {  	s5 =	sor.u32 s17, s5;
	[tilespmem:s1+$0x0] =	vst v4  }
0x22d: {  	v4 =	vld [tilespmem:s5+$0xE300];
	_ =	sdelay $0x3  }
0x22e: {  	s29 =	sadd.s32 $0x80, s1  }
0x22f: {  	[tilespmem:s29+$0xFFFFFFA8] =	vst v4  }
0x230: {  	v4 =	vld [tilespmem:s5+$0xE310];
	_ =	sdelay $0x4  }
0x231: {  	[tilespmem:s29+$0xFFFFFFB8] =	vst v4  }
0x232: {  	v4 =	vld [tilespmem:s5+$0xE320];
	_ =	sdelay $0x4  }
0x233: {  	[tilespmem:s29+$0xFFFFFFC8] =	vst v4  }
0x234: {  	v4 =	vld [tilespmem:s5+$0xE330];
	_ =	sdelay $0x4  }
0x235: {  	[tilespmem:s29+$0xFFFFFFD8] =	vst v4  }
0x236: {  	v4 =	vld [tilespmem:s5+$0xE340];
	_ =	sdelay $0x4  }
0x237: {  	[tilespmem:s29+$0xFFFFFFE8] =	vst v4  }
0x238: {  	v4 =	vld [tilespmem:s5+$0xE350];
	_ =	sdelay $0x4  }
0x239: {  	[tilespmem:s29+$0xFFFFFFF8] =	vst v4  }
0x23a: {  	v5 =	vld.msk [tilespmem:s5+$0xE360], $0xff;
	_ =	sdelay $0x4  }
0x23b: {  	v4 =	vperm.xlane v4, v3;
	v5 =	vperm.xlane v5, v3;
	_ =	sdelay $0x1  }
0x23c: {  	v4 =	vsel vm1, v4, v5  }
0x23d: {  	s11 =	rddreg [dreg:$0x7];
	[tilespmem:s29+$0x0] =	vst v4  }
0x23e: {  	[hbm4b:s11+s3] =	stream.linear.scatter [tilespmem:s19], [sflag:$0x4], $0x1C00, $0x38;
	[tilespmem:$0x1B700] =	vst v63  }
0x23f: {  	s17 =	sadd.s32 $0x400, s11  }
0x240: {  	[hbm4b:s17+s3] =	stream.linear.scatter [tilespmem:s24], [sflag:$0x4], $0x1C00, $0x38;
	[tilespmem:$0x1B700] =	vst v63  }
0x241: {  	s20 =	sadd.s32 $0x800, s11  }
0x242: {  	[hbm4b:s20+s3] =	stream.linear.scatter [tilespmem:s31], [sflag:$0x4], $0x1C00, $0x38;
	[tilespmem:$0x1B700] =	vst v63  }
0x243: {  	s28 =	sadd.s32 $0xC00, s11  }
0x244: {  	[hbm4b:s28+s3] =	stream.linear.scatter [tilespmem:s14], [sflag:$0x4], $0x1C00, $0x38;
	[tilespmem:$0x1B700] =	vst v63  }
0x245: {  	s29 =	sadd.s32 $0x1000, s11  }
0x246: {  	[hbm4b:s29+s3] =	stream.linear.scatter [tilespmem:s18], [sflag:$0x4], $0x1C00, $0x38;
	[tilespmem:$0x1B700] =	vst v63  }
0x247: {  	s11 =	sadd.s32 $0x1400, s11  }
0x248: {  	[hbm4b:s11+s3] =	stream.linear.scatter [tilespmem:s26], [sflag:$0x4], $0x1C00, $0x38;
	[tilespmem:$0x1B700] =	vst v63  }
0x249: {  	s17 =	rddreg [dreg:$0x8];
	s20 =	simm.s32 $0x19F00  }
0x24a: {  	[hbm4b:s17+s12] =	stream.strided.scatter [tilespmem:s20], [sflag:$0x4], $0x1800, s15, s12, $0x38;
	[tilespmem:$0x1B700] =	vst v63  }
0x24b: {  	_ =	swait.ge [sflag:s22], $0xA800  }
0x24c: {  	[sflag:s22] =	ssyncset.done $0x0  }
0x24d: {  	[sflag:s22] =	ssyncadd.s32 $0xFFFF5800  }
0x24e: {  	_ =	swait.ge [sflag:s22], $0x1800  }
0x24f: {  	[sflag:s22] =	ssyncset.done $0x0  }
0x250: {  	[sflag:s22] =	ssyncadd.s32 $0xFFFFE800  }
0x251: {  	_ =	swait.ge [sflag:s23], $0xA800  }
0x252: {  	[sflag:s23] =	ssyncset.done $0x0  }
0x253: {  	[sflag:s23] =	ssyncadd.s32 $0xFFFF5800  }
0x254: {  	_ =	swait.ge [sflag:s23], $0x1800  }
0x255: {  	s28 =	rddreg [dreg:$0xa]  }
0x256: {  	s29 =	rddreg [dreg:$0x9];
	s5 =	sadd.s32 $0x1, s28  }
0x257: {  	p0 =	sne.s32 s5, s29  }
.Ltmp5:
0x258: {  	_ = 	snop;
	(pc) =	sbr.rel @p0 .LBB2_1-.Ltmp5, $3  }
0x259: {  	_ =	sdelay $0x1  }
0x25a: {  	[sflag:s23] =	ssyncset.done $0x0  }
0x25b: {  	[sflag:s23] =	ssyncadd.s32 $0xFFFFE800  }
0x25c: {  	_ =	sfence.sel $0x180000  }
0x25d: {  	[bflag:$0x0] =	sbarrier.arrive $0xFFFF  }
0x25e: {  	_ =	strace $0x90000047  }
0x25f: {  	s0 =	stileid.u32;
	[bflag:$0x2] =	sbarrier.arrive $0xFFFF  }
0x260: {  	p0 =	sne.s32 s0, $0x0;
	s0 =	rddreg [dreg:$0x2]  }
0x261: {  	s0 =	sadd.s32 @!p0 $0x100000, s0  }
0x262: {  	[sflag:s0] =	ssyncadd.tile.s32 @!p0 $0x1;
	_ =	shalt  }
.Lfunc_end2:
_tile_overlayer_lowered:
.L_overlay_start_2:
0x263: {  	(tag) =	ssettag $0x2  }
0x264: {  	s0 =	rddreg [dreg:$0x0];
	s2 =	stileid.u32  }
0x265: {  	s1 =	rddreg [dreg:$0x1];
	p0 =	sne.s32 s2, $0x0  }
0x266: {  	s3 =	rddreg [dreg:$0x2];
	[bflag:$0x3] =	sbarrier.arrive $0xFFFF;
	s2 =	simm.s32 @!p0 $0x1C05  }
0x267: {  	[timem:s3], [sflag:s2] =	dma.local @!p0 [hbm:s0], s1  }
0x268: {  	s0 =	simm.s32 @!p0 $0x5  }
0x269: {  	_ =	swait.ge @!p0 [sflag:s0], s1  }
0x26a: {  	s1 =	ssub.s32 @!p0 $0x0, s1;
	[sflag:s0] =	ssyncset.done @!p0 $0x0  }
0x26b: {  	[sflag:s0] =	ssyncadd.s32 @!p0 s1  }
0x26c: {  	[bflag:$0x3] =	sbarrier.arrive $0xFFFF  }
0x26d: {  	_ =	shalt  }

</sc_bundles>
